<compile_context>
chip_gen: v7x
topology: tpu7x:2x2x1
jax: 0.10.2.dev20260603
libtpu: 0.0.44.dev20260713+nightly
codegen_flags: <defaults>
</compile_context>

<pallas_src>
import jax
import jax.numpy as jnp
from jax import lax
from jax.experimental import pallas as pl
from jax.experimental.pallas import tpu as pltpu
from jax.experimental.pallas import tpu_sc as plsc

_B, _N, _D = 4, 4096, 2048
_INFO = plsc.get_sparse_core_info()
_NC = _INFO.num_cores
_NS = _INFO.num_subcores
_NW = _NC * _NS
_CW = _D * _B // _NW
_CBLK = _D // _CW
_R = 64
_NCHUNK = _N // _R
_NBUF = 2
_L = 16
_NG = _CW // _L


def _scan_body(x_hbm, out_hbm, tin, tout, in_sems, out_sems):
    core = lax.axis_index("c")
    sub = lax.axis_index("s")
    wid = sub * _NC + core
    b = wid // _CBLK
    c0 = (wid % _CBLK) * _CW

    def in_copy(slot, chunk):
        return pltpu.make_async_copy(
            x_hbm.at[b, pl.ds(chunk * _R, _R), pl.ds(c0, _CW)],
            tin.at[slot],
            in_sems.at[slot],
        )

    def out_copy(slot, chunk):
        return pltpu.make_async_copy(
            tout.at[slot],
            out_hbm.at[b, pl.ds(chunk * _R, _R), pl.ds(c0, _CW)],
            out_sems.at[slot],
        )

    for s in range(_NBUF):
        in_copy(s, s).start()

    zero = jnp.zeros((_L,), jnp.float32)
    init = tuple(zero for _ in range(_NG))

    @pl.loop(0, _NCHUNK, step=_NBUF, init_carry=init)
    def _outer(ci, accs):
        for s in range(_NBUF):
            chunk = ci + s
            in_copy(s, chunk).wait()

            @pl.when(chunk >= _NBUF)
            def _():
                out_copy(s, chunk - _NBUF).wait()

            ti = tin.at[s]
            to = tout.at[s]

            def _row(r, accs):
                new = []
                for g in range(_NG):
                    a = accs[g] + ti[r, pl.ds(g * _L, _L)]
                    to[r, pl.ds(g * _L, _L)] = a
                    new.append(a)
                return tuple(new)

            accs = lax.fori_loop(0, _R, _row, accs)

            @pl.when(chunk + _NBUF < _NCHUNK)
            def _():
                in_copy(s, chunk + _NBUF).start()

            out_copy(s, chunk).start()
        return accs

    for s in range(_NBUF):
        out_copy(s, _NCHUNK - _NBUF + s).wait()


@jax.jit
def kernel(x):
    run = pl.kernel(
        _scan_body,
        out_type=jax.ShapeDtypeStruct((_B, _N, _D), jnp.float32),
        mesh=plsc.VectorSubcoreMesh(core_axis_name="c", subcore_axis_name="s"),
        scratch_types=[
            pltpu.VMEM((_NBUF, _R, _CW), jnp.float32),
            pltpu.VMEM((_NBUF, _R, _CW), jnp.float32),
            pltpu.SemaphoreType.DMA((_NBUF,)),
            pltpu.SemaphoreType.DMA((_NBUF,)),
        ],
    )
    return run(x)

# --- scband reference (transcript-rebuilt; emitter-appended) ---
"""Pipeline reference for scband-model-new-23656679867146 (READ-ONLY COPY).

The authoritative reference and input builder live on the scoring server;
editing this copy changes nothing except your own understanding.
"""

import jax, jax.numpy as jnp
import numpy as np


def setup_inputs(seed: int = 0) -> dict:
    key = jax.random.key(seed)
    x = jax.random.normal(key, (4, 4096, 2048), dtype=jnp.float32)
    return {"x": x}


def reference(x):
    # Module computes an inclusive cumulative sum along self.dim (=1).
    # The CUDA kernel permutes the scan dim to the last axis, runs a
    # warp-scan inclusive prefix sum, then permutes back -- mathematically
    # identical to cumsum along axis=1 in float32.
    return jnp.cumsum(x.astype(jnp.float32), axis=1)

if __name__ == "__main__":
    import jax
    _d = setup_inputs()
    print(jax.jit(kernel)(*tuple(_d.values())))

</pallas_src>

<mosaic_0001>
#map = affine_map<(d0, d1) -> (0, 0, 0)>
module attributes {stable_mosaic.version = 14 : i64} {
  func.func @_scan_body(%arg0: i32, %arg1: i32, %arg2: memref<4x4096x2048xf32, #tpu.memory_space<hbm>>, %arg3: memref<4x4096x2048xf32, #tpu.memory_space<hbm>>, %arg4: memref<2x64x256xf32, #tpu.memory_space<vmem>>, %arg5: memref<2x64x256xf32, #tpu.memory_space<vmem>>, %arg6: memref<2x!tpu.dma_semaphore, #tpu.memory_space<semaphore_mem>>, %arg7: memref<2x!tpu.dma_semaphore, #tpu.memory_space<semaphore_mem>>) attributes {dimension_semantics = [#tpu.dimension_semantics<core_parallel>, #tpu.dimension_semantics<subcore_parallel>], iteration_bounds = array<i64: 2, 16>, scalar_prefetch = 0 : i64, scratch_operands = 4 : i64, tpu.core_type = #tpu.core_type<sc_vector_subcore>, window_params = [{transform_indices = #map}, {transform_indices = #map}]} {
    %mul3A = arith.constant 2 : i32
    %mul3A_0 = arith.muli %arg1, %mul3A : i32
    %add3A = arith.addi %mul3A_0, %arg0 : i32
    %jit3A = arith.constant 8 : i32
    %div3A = arith.divsi %add3A, %jit3A : i32
    %sign3A = arith.constant 0 : i32
    %sign3A_1 = arith.cmpi sgt, %add3A, %sign3A : i32
    %sign3A_2 = arith.extui %sign3A_1 : i1 to i32
    %sign3A_3 = arith.constant 0 : i32
    %sign3A_4 = arith.cmpi slt, %add3A, %sign3A_3 : i32
    %sign3A_5 = arith.extui %sign3A_4 : i1 to i32
    %sign3A_6 = arith.subi %sign3A_2, %sign3A_5 : i32
    %sign3A_7 = arith.constant 0 : i32
    %sign3A_8 = arith.cmpi sgt, %jit3A, %sign3A_7 : i32
    %sign3A_9 = arith.extui %sign3A_8 : i1 to i32
    %sign3A_10 = arith.constant 0 : i32
    %sign3A_11 = arith.cmpi slt, %jit3A, %sign3A_10 : i32
    %sign3A_12 = arith.extui %sign3A_11 : i1 to i32
    %sign3A_13 = arith.subi %sign3A_9, %sign3A_12 : i32
    %ne3A = arith.cmpi ne, %sign3A_6, %sign3A_13 : i32
    %rem3A = arith.remsi %add3A, %jit3A : i32
    %ne3A_14 = arith.constant 0 : i32
    %ne3A_15 = arith.cmpi ne, %rem3A, %ne3A_14 : i32
    %and3A = arith.andi %ne3A, %ne3A_15 : i1
    %sub3A = arith.constant 1 : i32
    %sub3A_16 = arith.subi %div3A, %sub3A : i32
    %select_n3A = arith.select %and3A, %sub3A_16, %div3A : i32
    %jit3A_17 = arith.constant 8 : i32
    %eq3A = arith.constant 0 : i32
    %eq3A_18 = arith.cmpi eq, %jit3A_17, %eq3A : i32
    %jit3A_19 = arith.constant 1 : i32
    %select_n3A_20 = arith.select %eq3A_18, %jit3A_19, %jit3A_17 : i32
    %rem3A_21 = arith.remsi %add3A, %select_n3A_20 : i32
    %ne3A_22 = arith.constant 0 : i32
    %ne3A_23 = arith.cmpi ne, %rem3A_21, %ne3A_22 : i32
    %lt3A = arith.constant 0 : i32
    %lt3A_24 = arith.cmpi slt, %rem3A_21, %lt3A : i32
    %lt3A_25 = arith.constant 0 : i32
    %lt3A_26 = arith.cmpi slt, %select_n3A_20, %lt3A_25 : i32
    %ne3A_27 = arith.xori %lt3A_24, %lt3A_26 : i1
    %and3A_28 = arith.andi %ne3A_27, %ne3A_23 : i1
    %add3A_29 = arith.addi %rem3A_21, %select_n3A_20 : i32
    %select_n3A_30 = arith.select %and3A_28, %add3A_29, %rem3A_21 : i32
    %mul3A_31 = arith.constant 256 : i32
    %mul3A_32 = arith.muli %select_n3A_30, %mul3A_31 : i32
    %dma_start3A = arith.constant 0 : i32
    %dma_start3A_33 = arith.constant 0 : i32
    %dma_start3A_34 = arith.constant 0 : i32
    %dma_start3A_35 = arith.constant 0 : i32
    %dma_start3A_36 = tpu.memref_slice %arg4[%dma_start3A, %dma_start3A_34, %dma_start3A_35] : memref<2x64x256xf32, #tpu.memory_space<vmem>> -> memref<1x64x256xf32, #tpu.memory_space<vmem>>
    %dma_start3A_37 = tpu.memref_squeeze %dma_start3A_36 : memref<1x64x256xf32, #tpu.memory_space<vmem>> -> memref<64x256xf32, #tpu.memory_space<vmem>>
    %dma_start3A_38 = arith.constant 0 : i32
    %dma_start3A_39 = tpu.memref_slice %arg2[%select_n3A, %dma_start3A_38, %mul3A_32] : memref<4x4096x2048xf32, #tpu.memory_space<hbm>> -> memref<1x64x256xf32, #tpu.memory_space<hbm>>
    %dma_start3A_40 = tpu.memref_squeeze %dma_start3A_39 : memref<1x64x256xf32, #tpu.memory_space<hbm>> -> memref<64x256xf32, #tpu.memory_space<hbm>>
    %dma_start3A_41 = tpu.memref_slice %arg6[%dma_start3A_33] : memref<2x!tpu.dma_semaphore, #tpu.memory_space<semaphore_mem>> -> memref<1x!tpu.dma_semaphore, #tpu.memory_space<semaphore_mem>>
    %dma_start3A_42 = tpu.memref_squeeze %dma_start3A_41 : memref<1x!tpu.dma_semaphore, #tpu.memory_space<semaphore_mem>> -> memref<!tpu.dma_semaphore, #tpu.memory_space<semaphore_mem>>
    %dma_start3A_43 = arith.constant 0 : i32
    %dma_start3A_44 = arith.constant 0 : i32
    %dma_start3A_45 = tpu.memref_slice %arg4[%dma_start3A, %dma_start3A_43, %dma_start3A_44] : memref<2x64x256xf32, #tpu.memory_space<vmem>> -> memref<1x64x256xf32, #tpu.memory_space<vmem>>
    %dma_start3A_46 = tpu.memref_squeeze %dma_start3A_45 : memref<1x64x256xf32, #tpu.memory_space<vmem>> -> memref<64x256xf32, #tpu.memory_space<vmem>>
    %dma_start3A_47 = arith.constant 0 : i32
    %dma_start3A_48 = tpu.memref_slice %arg2[%select_n3A, %dma_start3A_47, %mul3A_32] : memref<4x4096x2048xf32, #tpu.memory_space<hbm>> -> memref<1x64x256xf32, #tpu.memory_space<hbm>>
    %dma_start3A_49 = tpu.memref_squeeze %dma_start3A_48 : memref<1x64x256xf32, #tpu.memory_space<hbm>> -> memref<64x256xf32, #tpu.memory_space<hbm>>
    tpu.enqueue_dma source(%dma_start3A_49 : memref<64x256xf32, #tpu.memory_space<hbm>>) target(%dma_start3A_46 : memref<64x256xf32, #tpu.memory_space<vmem>>) target_semaphore(%dma_start3A_42 : memref<!tpu.dma_semaphore, #tpu.memory_space<semaphore_mem>>)
    %dma_start3A_50 = arith.constant 1 : i32
    %dma_start3A_51 = arith.constant 1 : i32
    %dma_start3A_52 = arith.constant 0 : i32
    %dma_start3A_53 = arith.constant 0 : i32
    %dma_start3A_54 = tpu.memref_slice %arg4[%dma_start3A_50, %dma_start3A_52, %dma_start3A_53] : memref<2x64x256xf32, #tpu.memory_space<vmem>> -> memref<1x64x256xf32, #tpu.memory_space<vmem>>
    %dma_start3A_55 = tpu.memref_squeeze %dma_start3A_54 : memref<1x64x256xf32, #tpu.memory_space<vmem>> -> memref<64x256xf32, #tpu.memory_space<vmem>>
    %dma_start3A_56 = arith.constant 64 : i32
    %dma_start3A_57 = tpu.memref_slice %arg2[%select_n3A, %dma_start3A_56, %mul3A_32] : memref<4x4096x2048xf32, #tpu.memory_space<hbm>> -> memref<1x64x256xf32, #tpu.memory_space<hbm>>
    %dma_start3A_58 = tpu.memref_squeeze %dma_start3A_57 : memref<1x64x256xf32, #tpu.memory_space<hbm>> -> memref<64x256xf32, #tpu.memory_space<hbm>>
    %dma_start3A_59 = tpu.memref_slice %arg6[%dma_start3A_51] : memref<2x!tpu.dma_semaphore, #tpu.memory_space<semaphore_mem>> -> memref<1x!tpu.dma_semaphore, #tpu.memory_space<semaphore_mem>>
    %dma_start3A_60 = tpu.memref_squeeze %dma_start3A_59 : memref<1x!tpu.dma_semaphore, #tpu.memory_space<semaphore_mem>> -> memref<!tpu.dma_semaphore, #tpu.memory_space<semaphore_mem>>
    %dma_start3A_61 = arith.constant 0 : i32
    %dma_start3A_62 = arith.constant 0 : i32
    %dma_start3A_63 = tpu.memref_slice %arg4[%dma_start3A_50, %dma_start3A_61, %dma_start3A_62] : memref<2x64x256xf32, #tpu.memory_space<vmem>> -> memref<1x64x256xf32, #tpu.memory_space<vmem>>
    %dma_start3A_64 = tpu.memref_squeeze %dma_start3A_63 : memref<1x64x256xf32, #tpu.memory_space<vmem>> -> memref<64x256xf32, #tpu.memory_space<vmem>>
    %dma_start3A_65 = arith.constant 64 : i32
    %dma_start3A_66 = tpu.memref_slice %arg2[%select_n3A, %dma_start3A_65, %mul3A_32] : memref<4x4096x2048xf32, #tpu.memory_space<hbm>> -> memref<1x64x256xf32, #tpu.memory_space<hbm>>
    %dma_start3A_67 = tpu.memref_squeeze %dma_start3A_66 : memref<1x64x256xf32, #tpu.memory_space<hbm>> -> memref<64x256xf32, #tpu.memory_space<hbm>>
    tpu.enqueue_dma source(%dma_start3A_67 : memref<64x256xf32, #tpu.memory_space<hbm>>) target(%dma_start3A_64 : memref<64x256xf32, #tpu.memory_space<vmem>>) target_semaphore(%dma_start3A_60 : memref<!tpu.dma_semaphore, #tpu.memory_space<semaphore_mem>>)
    %broadcast_in_dim3A = arith.constant 0.000000e+00 : f32
    %broadcast_in_dim3A_68 = vector.broadcast %broadcast_in_dim3A : f32 to vector<16xf32>
    %scan3A = arith.constant 0 : i32
    %scan3A_69 = arith.constant 32 : i32
    %scan3A_70 = arith.addi %scan3A, %scan3A_69 : i32
    %scan3A_71 = arith.constant 1 : i32
    %scan3A_72:16 = scf.for %scan3A_109 = %scan3A to %scan3A_70 step %scan3A_71 iter_args(%scan3A_110 = %broadcast_in_dim3A_68, %scan3A_111 = %broadcast_in_dim3A_68, %scan3A_112 = %broadcast_in_dim3A_68, %scan3A_113 = %broadcast_in_dim3A_68, %scan3A_114 = %broadcast_in_dim3A_68, %scan3A_115 = %broadcast_in_dim3A_68, %scan3A_116 = %broadcast_in_dim3A_68, %scan3A_117 = %broadcast_in_dim3A_68, %scan3A_118 = %broadcast_in_dim3A_68, %scan3A_119 = %broadcast_in_dim3A_68, %scan3A_120 = %broadcast_in_dim3A_68, %scan3A_121 = %broadcast_in_dim3A_68, %scan3A_122 = %broadcast_in_dim3A_68, %scan3A_123 = %broadcast_in_dim3A_68, %scan3A_124 = %broadcast_in_dim3A_68, %scan3A_125 = %broadcast_in_dim3A_68) -> (vector<16xf32>, vector<16xf32>, vector<16xf32>, vector<16xf32>, vector<16xf32>, vector<16xf32>, vector<16xf32>, vector<16xf32>, vector<16xf32>, vector<16xf32>, vector<16xf32>, vector<16xf32>, vector<16xf32>, vector<16xf32>, vector<16xf32>, vector<16xf32>)  : i32 {
      %mul3A_126 = arith.constant 2 : i32
      %mul3A_127 = arith.muli %scan3A_109, %mul3A_126 : i32
      %add3A_128 = arith.constant 0 : i32
      %add3A_129 = arith.addi %add3A_128, %mul3A_127 : i32
      %add3A_130 = arith.constant 0 : i32
      %add3A_131 = arith.addi %add3A_129, %add3A_130 : i32
      %mul3A_132 = arith.constant 64 : i32
      %mul3A_133 = arith.muli %add3A_131, %mul3A_132 : i32
      %dma_wait3A_134 = arith.constant 0 : i32
      %dma_wait3A_135 = arith.constant 0 : i32
      %dma_wait3A_136 = arith.constant 0 : i32
      %dma_wait3A_137 = arith.constant 0 : i32
      %dma_wait3A_138 = tpu.memref_slice %arg4[%dma_wait3A_134, %dma_wait3A_136, %dma_wait3A_137] : memref<2x64x256xf32, #tpu.memory_space<vmem>> -> memref<1x64x256xf32, #tpu.memory_space<vmem>>
      %dma_wait3A_139 = tpu.memref_squeeze %dma_wait3A_138 : memref<1x64x256xf32, #tpu.memory_space<vmem>> -> memref<64x256xf32, #tpu.memory_space<vmem>>
      %dma_wait3A_140 = tpu.memref_slice %arg2[%select_n3A, %mul3A_133, %mul3A_32] : memref<4x4096x2048xf32, #tpu.memory_space<hbm>> -> memref<1x64x256xf32, #tpu.memory_space<hbm>>
      %dma_wait3A_141 = tpu.memref_squeeze %dma_wait3A_140 : memref<1x64x256xf32, #tpu.memory_space<hbm>> -> memref<64x256xf32, #tpu.memory_space<hbm>>
      %dma_wait3A_142 = tpu.memref_slice %arg6[%dma_wait3A_135] : memref<2x!tpu.dma_semaphore, #tpu.memory_space<semaphore_mem>> -> memref<1x!tpu.dma_semaphore, #tpu.memory_space<semaphore_mem>>
      %dma_wait3A_143 = tpu.memref_squeeze %dma_wait3A_142 : memref<1x!tpu.dma_semaphore, #tpu.memory_space<semaphore_mem>> -> memref<!tpu.dma_semaphore, #tpu.memory_space<semaphore_mem>>
      %dma_wait3A_144 = arith.constant 0 : i32
      %dma_wait3A_145 = arith.constant 0 : i32
      %dma_wait3A_146 = tpu.memref_slice %arg4[%dma_wait3A_134, %dma_wait3A_144, %dma_wait3A_145] : memref<2x64x256xf32, #tpu.memory_space<vmem>> -> memref<1x64x256xf32, #tpu.memory_space<vmem>>
      %dma_wait3A_147 = tpu.memref_squeeze %dma_wait3A_146 : memref<1x64x256xf32, #tpu.memory_space<vmem>> -> memref<64x256xf32, #tpu.memory_space<vmem>>
      %dma_wait3A_148 = tpu.memref_slice %arg2[%select_n3A, %mul3A_133, %mul3A_32] : memref<4x4096x2048xf32, #tpu.memory_space<hbm>> -> memref<1x64x256xf32, #tpu.memory_space<hbm>>
      %dma_wait3A_149 = tpu.memref_squeeze %dma_wait3A_148 : memref<1x64x256xf32, #tpu.memory_space<hbm>> -> memref<64x256xf32, #tpu.memory_space<hbm>>
      tpu.wait_dma2 semaphore(%dma_wait3A_143 : memref<!tpu.dma_semaphore, #tpu.memory_space<semaphore_mem>>) src(%dma_wait3A_149 : memref<64x256xf32, #tpu.memory_space<hbm>>) dst(%dma_wait3A_147 : memref<64x256xf32, #tpu.memory_space<vmem>>)
      %ge3A = arith.constant 2 : i32
      %ge3A_150 = arith.cmpi sge, %add3A_131, %ge3A : i32
      %convert_element_type3A = arith.extui %ge3A_150 : i1 to i32
      %cond3A = arith.constant 0 : i32
      %cond3A_151 = arith.cmpi ne, %convert_element_type3A, %cond3A : i32
      scf.if %cond3A_151 {
        %sub3A_243 = arith.constant 2 : i32
        %sub3A_244 = arith.subi %add3A_131, %sub3A_243 : i32
        %mul3A_245 = arith.constant 64 : i32
        %mul3A_246 = arith.muli %sub3A_244, %mul3A_245 : i32
        %dma_wait3A_247 = arith.constant 0 : i32
        %dma_wait3A_248 = arith.constant 0 : i32
        %dma_wait3A_249 = arith.constant 0 : i32
        %dma_wait3A_250 = arith.constant 0 : i32
        %dma_wait3A_251 = tpu.memref_slice %arg5[%dma_wait3A_247, %dma_wait3A_249, %dma_wait3A_250] : memref<2x64x256xf32, #tpu.memory_space<vmem>> -> memref<1x64x256xf32, #tpu.memory_space<vmem>>
        %dma_wait3A_252 = tpu.memref_squeeze %dma_wait3A_251 : memref<1x64x256xf32, #tpu.memory_space<vmem>> -> memref<64x256xf32, #tpu.memory_space<vmem>>
        %dma_wait3A_253 = tpu.memref_slice %arg3[%select_n3A, %mul3A_246, %mul3A_32] : memref<4x4096x2048xf32, #tpu.memory_space<hbm>> -> memref<1x64x256xf32, #tpu.memory_space<hbm>>
        %dma_wait3A_254 = tpu.memref_squeeze %dma_wait3A_253 : memref<1x64x256xf32, #tpu.memory_space<hbm>> -> memref<64x256xf32, #tpu.memory_space<hbm>>
        %dma_wait3A_255 = tpu.memref_slice %arg7[%dma_wait3A_248] : memref<2x!tpu.dma_semaphore, #tpu.memory_space<semaphore_mem>> -> memref<1x!tpu.dma_semaphore, #tpu.memory_space<semaphore_mem>>
        %dma_wait3A_256 = tpu.memref_squeeze %dma_wait3A_255 : memref<1x!tpu.dma_semaphore, #tpu.memory_space<semaphore_mem>> -> memref<!tpu.dma_semaphore, #tpu.memory_space<semaphore_mem>>
        %dma_wait3A_257 = tpu.memref_slice %arg3[%select_n3A, %mul3A_246, %mul3A_32] : memref<4x4096x2048xf32, #tpu.memory_space<hbm>> -> memref<1x64x256xf32, #tpu.memory_space<hbm>>
        %dma_wait3A_258 = tpu.memref_squeeze %dma_wait3A_257 : memref<1x64x256xf32, #tpu.memory_space<hbm>> -> memref<64x256xf32, #tpu.memory_space<hbm>>
        %dma_wait3A_259 = arith.constant 0 : i32
        %dma_wait3A_260 = arith.constant 0 : i32
        %dma_wait3A_261 = tpu.memref_slice %arg5[%dma_wait3A_247, %dma_wait3A_259, %dma_wait3A_260] : memref<2x64x256xf32, #tpu.memory_space<vmem>> -> memref<1x64x256xf32, #tpu.memory_space<vmem>>
        %dma_wait3A_262 = tpu.memref_squeeze %dma_wait3A_261 : memref<1x64x256xf32, #tpu.memory_space<vmem>> -> memref<64x256xf32, #tpu.memory_space<vmem>>
        tpu.wait_dma2 semaphore(%dma_wait3A_256 : memref<!tpu.dma_semaphore, #tpu.memory_space<semaphore_mem>>) src(%dma_wait3A_262 : memref<64x256xf32, #tpu.memory_space<vmem>>) dst(%dma_wait3A_258 : memref<64x256xf32, #tpu.memory_space<hbm>>)
      } else {
      }
      %scan3A_152 = arith.constant 0 : i32
      %scan3A_153 = arith.constant 0 : i32
      %scan3A_154 = arith.constant 0 : i32
      %scan3A_155 = arith.constant 64 : i32
      %scan3A_156 = arith.addi %scan3A_154, %scan3A_155 : i32
      %scan3A_157 = arith.constant 1 : i32
      %scan3A_158:16 = scf.for %scan3A_243 = %scan3A_154 to %scan3A_156 step %scan3A_157 iter_args(%scan3A_244 = %scan3A_110, %scan3A_245 = %scan3A_111, %scan3A_246 = %scan3A_112, %scan3A_247 = %scan3A_113, %scan3A_248 = %scan3A_114, %scan3A_249 = %scan3A_115, %scan3A_250 = %scan3A_116, %scan3A_251 = %scan3A_117, %scan3A_252 = %scan3A_118, %scan3A_253 = %scan3A_119, %scan3A_254 = %scan3A_120, %scan3A_255 = %scan3A_121, %scan3A_256 = %scan3A_122, %scan3A_257 = %scan3A_123, %scan3A_258 = %scan3A_124, %scan3A_259 = %scan3A_125) -> (vector<16xf32>, vector<16xf32>, vector<16xf32>, vector<16xf32>, vector<16xf32>, vector<16xf32>, vector<16xf32>, vector<16xf32>, vector<16xf32>, vector<16xf32>, vector<16xf32>, vector<16xf32>, vector<16xf32>, vector<16xf32>, vector<16xf32>, vector<16xf32>)  : i32 {
        %get3A = arith.constant 0 : i32
        %get3A_260 = arith.constant 0 : i32
        %get3A_261 = tpu.memref_slice %arg4[%scan3A_152, %get3A, %get3A_260] : memref<2x64x256xf32, #tpu.memory_space<vmem>> -> memref<1x64x256xf32, #tpu.memory_space<vmem>>
        %get3A_262 = tpu.memref_squeeze %get3A_261 : memref<1x64x256xf32, #tpu.memory_space<vmem>> -> memref<64x256xf32, #tpu.memory_space<vmem>>
        %get3A_263 = arith.index_cast %scan3A_243 : i32 to index
        %get3A_264 = arith.constant 0 : index
        %get3A_265 = tpu.vector_load %get3A_262[%get3A_263, %get3A_264] {strides = array<i32>} : memref<64x256xf32, #tpu.memory_space<vmem>>, vector<1x16xf32>,
        %get3A_266 = vector.shape_cast %get3A_265 : vector<1x16xf32> to vector<16xf32>
        %add3A_267 = arith.addf %scan3A_244, %get3A_266 : vector<16xf32>
        %swap3A = arith.constant 0 : i32
        %swap3A_268 = arith.constant 0 : i32
        %swap3A_269 = tpu.memref_slice %arg5[%scan3A_153, %swap3A, %swap3A_268] : memref<2x64x256xf32, #tpu.memory_space<vmem>> -> memref<1x64x256xf32, #tpu.memory_space<vmem>>
        %swap3A_270 = tpu.memref_squeeze %swap3A_269 : memref<1x64x256xf32, #tpu.memory_space<vmem>> -> memref<64x256xf32, #tpu.memory_space<vmem>>
        %swap3A_271 = arith.index_cast %scan3A_243 : i32 to index
        %swap3A_272 = arith.constant 0 : index
        %swap3A_273 = tpu.vector_load %swap3A_270[%swap3A_271, %swap3A_272] {strides = array<i32>} : memref<64x256xf32, #tpu.memory_space<vmem>>, vector<1x16xf32>,
        %swap3A_274 = vector.shape_cast %swap3A_273 : vector<1x16xf32> to vector<16xf32>
        %swap3A_275 = vector.shape_cast %add3A_267 : vector<16xf32> to vector<1x16xf32>
        tpu.vector_store %swap3A_270[%swap3A_271, %swap3A_272], %swap3A_275 {strides = array<i32>} : memref<64x256xf32, #tpu.memory_space<vmem>>, vector<1x16xf32>,
        %get3A_276 = arith.constant 0 : i32
        %get3A_277 = arith.constant 0 : i32
        %get3A_278 = tpu.memref_slice %arg4[%scan3A_152, %get3A_276, %get3A_277] : memref<2x64x256xf32, #tpu.memory_space<vmem>> -> memref<1x64x256xf32, #tpu.memory_space<vmem>>
        %get3A_279 = tpu.memref_squeeze %get3A_278 : memref<1x64x256xf32, #tpu.memory_space<vmem>> -> memref<64x256xf32, #tpu.memory_space<vmem>>
        %get3A_280 = arith.index_cast %scan3A_243 : i32 to index
        %get3A_281 = arith.constant 16 : index
        %get3A_282 = tpu.vector_load %get3A_279[%get3A_280, %get3A_281] {strides = array<i32>} : memref<64x256xf32, #tpu.memory_space<vmem>>, vector<1x16xf32>,
        %get3A_283 = vector.shape_cast %get3A_282 : vector<1x16xf32> to vector<16xf32>
        %add3A_284 = arith.addf %scan3A_245, %get3A_283 : vector<16xf32>
        %swap3A_285 = arith.constant 0 : i32
        %swap3A_286 = arith.constant 0 : i32
        %swap3A_287 = tpu.memref_slice %arg5[%scan3A_153, %swap3A_285, %swap3A_286] : memref<2x64x256xf32, #tpu.memory_space<vmem>> -> memref<1x64x256xf32, #tpu.memory_space<vmem>>
        %swap3A_288 = tpu.memref_squeeze %swap3A_287 : memref<1x64x256xf32, #tpu.memory_space<vmem>> -> memref<64x256xf32, #tpu.memory_space<vmem>>
        %swap3A_289 = arith.index_cast %scan3A_243 : i32 to index
        %swap3A_290 = arith.constant 16 : index
        %swap3A_291 = tpu.vector_load %swap3A_288[%swap3A_289, %swap3A_290] {strides = array<i32>} : memref<64x256xf32, #tpu.memory_space<vmem>>, vector<1x16xf32>,
        %swap3A_292 = vector.shape_cast %swap3A_291 : vector<1x16xf32> to vector<16xf32>
        %swap3A_293 = vector.shape_cast %add3A_284 : vector<16xf32> to vector<1x16xf32>
        tpu.vector_store %swap3A_288[%swap3A_289, %swap3A_290], %swap3A_293 {strides = array<i32>} : memref<64x256xf32, #tpu.memory_space<vmem>>, vector<1x16xf32>,
        %get3A_294 = arith.constant 0 : i32
        %get3A_295 = arith.constant 0 : i32
        %get3A_296 = tpu.memref_slice %arg4[%scan3A_152, %get3A_294, %get3A_295] : memref<2x64x256xf32, #tpu.memory_space<vmem>> -> memref<1x64x256xf32, #tpu.memory_space<vmem>>
        %get3A_297 = tpu.memref_squeeze %get3A_296 : memref<1x64x256xf32, #tpu.memory_space<vmem>> -> memref<64x256xf32, #tpu.memory_space<vmem>>
        %get3A_298 = arith.index_cast %scan3A_243 : i32 to index
        %get3A_299 = arith.constant 32 : index
        %get3A_300 = tpu.vector_load %get3A_297[%get3A_298, %get3A_299] {strides = array<i32>} : memref<64x256xf32, #tpu.memory_space<vmem>>, vector<1x16xf32>,
        %get3A_301 = vector.shape_cast %get3A_300 : vector<1x16xf32> to vector<16xf32>
        %add3A_302 = arith.addf %scan3A_246, %get3A_301 : vector<16xf32>
        %swap3A_303 = arith.constant 0 : i32
        %swap3A_304 = arith.constant 0 : i32
        %swap3A_305 = tpu.memref_slice %arg5[%scan3A_153, %swap3A_303, %swap3A_304] : memref<2x64x256xf32, #tpu.memory_space<vmem>> -> memref<1x64x256xf32, #tpu.memory_space<vmem>>
        %swap3A_306 = tpu.memref_squeeze %swap3A_305 : memref<1x64x256xf32, #tpu.memory_space<vmem>> -> memref<64x256xf32, #tpu.memory_space<vmem>>
        %swap3A_307 = arith.index_cast %scan3A_243 : i32 to index
        %swap3A_308 = arith.constant 32 : index
        %swap3A_309 = tpu.vector_load %swap3A_306[%swap3A_307, %swap3A_308] {strides = array<i32>} : memref<64x256xf32, #tpu.memory_space<vmem>>, vector<1x16xf32>,
        %swap3A_310 = vector.shape_cast %swap3A_309 : vector<1x16xf32> to vector<16xf32>
        %swap3A_311 = vector.shape_cast %add3A_302 : vector<16xf32> to vector<1x16xf32>
        tpu.vector_store %swap3A_306[%swap3A_307, %swap3A_308], %swap3A_311 {strides = array<i32>} : memref<64x256xf32, #tpu.memory_space<vmem>>, vector<1x16xf32>,
        %get3A_312 = arith.constant 0 : i32
        %get3A_313 = arith.constant 0 : i32
        %get3A_314 = tpu.memref_slice %arg4[%scan3A_152, %get3A_312, %get3A_313] : memref<2x64x256xf32, #tpu.memory_space<vmem>> -> memref<1x64x256xf32, #tpu.memory_space<vmem>>
        %get3A_315 = tpu.memref_squeeze %get3A_314 : memref<1x64x256xf32, #tpu.memory_space<vmem>> -> memref<64x256xf32, #tpu.memory_space<vmem>>
        %get3A_316 = arith.index_cast %scan3A_243 : i32 to index
        %get3A_317 = arith.constant 48 : index
        %get3A_318 = tpu.vector_load %get3A_315[%get3A_316, %get3A_317] {strides = array<i32>} : memref<64x256xf32, #tpu.memory_space<vmem>>, vector<1x16xf32>,
        %get3A_319 = vector.shape_cast %get3A_318 : vector<1x16xf32> to vector<16xf32>
        %add3A_320 = arith.addf %scan3A_247, %get3A_319 : vector<16xf32>
        %swap3A_321 = arith.constant 0 : i32
        %swap3A_322 = arith.constant 0 : i32
        %swap3A_323 = tpu.memref_slice %arg5[%scan3A_153, %swap3A_321, %swap3A_322] : memref<2x64x256xf32, #tpu.memory_space<vmem>> -> memref<1x64x256xf32, #tpu.memory_space<vmem>>
        %swap3A_324 = tpu.memref_squeeze %swap3A_323 : memref<1x64x256xf32, #tpu.memory_space<vmem>> -> memref<64x256xf32, #tpu.memory_space<vmem>>
        %swap3A_325 = arith.index_cast %scan3A_243 : i32 to index
        %swap3A_326 = arith.constant 48 : index
        %swap3A_327 = tpu.vector_load %swap3A_324[%swap3A_325, %swap3A_326] {strides = array<i32>} : memref<64x256xf32, #tpu.memory_space<vmem>>, vector<1x16xf32>,
        %swap3A_328 = vector.shape_cast %swap3A_327 : vector<1x16xf32> to vector<16xf32>
        %swap3A_329 = vector.shape_cast %add3A_320 : vector<16xf32> to vector<1x16xf32>
        tpu.vector_store %swap3A_324[%swap3A_325, %swap3A_326], %swap3A_329 {strides = array<i32>} : memref<64x256xf32, #tpu.memory_space<vmem>>, vector<1x16xf32>,
        %get3A_330 = arith.constant 0 : i32
        %get3A_331 = arith.constant 0 : i32
        %get3A_332 = tpu.memref_slice %arg4[%scan3A_152, %get3A_330, %get3A_331] : memref<2x64x256xf32, #tpu.memory_space<vmem>> -> memref<1x64x256xf32, #tpu.memory_space<vmem>>
        %get3A_333 = tpu.memref_squeeze %get3A_332 : memref<1x64x256xf32, #tpu.memory_space<vmem>> -> memref<64x256xf32, #tpu.memory_space<vmem>>
        %get3A_334 = arith.index_cast %scan3A_243 : i32 to index
        %get3A_335 = arith.constant 64 : index
        %get3A_336 = tpu.vector_load %get3A_333[%get3A_334, %get3A_335] {strides = array<i32>} : memref<64x256xf32, #tpu.memory_space<vmem>>, vector<1x16xf32>,
        %get3A_337 = vector.shape_cast %get3A_336 : vector<1x16xf32> to vector<16xf32>
        %add3A_338 = arith.addf %scan3A_248, %get3A_337 : vector<16xf32>
        %swap3A_339 = arith.constant 0 : i32
        %swap3A_340 = arith.constant 0 : i32
        %swap3A_341 = tpu.memref_slice %arg5[%scan3A_153, %swap3A_339, %swap3A_340] : memref<2x64x256xf32, #tpu.memory_space<vmem>> -> memref<1x64x256xf32, #tpu.memory_space<vmem>>
        %swap3A_342 = tpu.memref_squeeze %swap3A_341 : memref<1x64x256xf32, #tpu.memory_space<vmem>> -> memref<64x256xf32, #tpu.memory_space<vmem>>
        %swap3A_343 = arith.index_cast %scan3A_243 : i32 to index
        %swap3A_344 = arith.constant 64 : index
        %swap3A_345 = tpu.vector_load %swap3A_342[%swap3A_343, %swap3A_344] {strides = array<i32>} : memref<64x256xf32, #tpu.memory_space<vmem>>, vector<1x16xf32>,
        %swap3A_346 = vector.shape_cast %swap3A_345 : vector<1x16xf32> to vector<16xf32>
        %swap3A_347 = vector.shape_cast %add3A_338 : vector<16xf32> to vector<1x16xf32>
        tpu.vector_store %swap3A_342[%swap3A_343, %swap3A_344], %swap3A_347 {strides = array<i32>} : memref<64x256xf32, #tpu.memory_space<vmem>>, vector<1x16xf32>,
        %get3A_348 = arith.constant 0 : i32
        %get3A_349 = arith.constant 0 : i32
        %get3A_350 = tpu.memref_slice %arg4[%scan3A_152, %get3A_348, %get3A_349] : memref<2x64x256xf32, #tpu.memory_space<vmem>> -> memref<1x64x256xf32, #tpu.memory_space<vmem>>
        %get3A_351 = tpu.memref_squeeze %get3A_350 : memref<1x64x256xf32, #tpu.memory_space<vmem>> -> memref<64x256xf32, #tpu.memory_space<vmem>>
        %get3A_352 = arith.index_cast %scan3A_243 : i32 to index
        %get3A_353 = arith.constant 80 : index
        %get3A_354 = tpu.vector_load %get3A_351[%get3A_352, %get3A_353] {strides = array<i32>} : memref<64x256xf32, #tpu.memory_space<vmem>>, vector<1x16xf32>,
        %get3A_355 = vector.shape_cast %get3A_354 : vector<1x16xf32> to vector<16xf32>
        %add3A_356 = arith.addf %scan3A_249, %get3A_355 : vector<16xf32>
        %swap3A_357 = arith.constant 0 : i32
        %swap3A_358 = arith.constant 0 : i32
        %swap3A_359 = tpu.memref_slice %arg5[%scan3A_153, %swap3A_357, %swap3A_358] : memref<2x64x256xf32, #tpu.memory_space<vmem>> -> memref<1x64x256xf32, #tpu.memory_space<vmem>>
        %swap3A_360 = tpu.memref_squeeze %swap3A_359 : memref<1x64x256xf32, #tpu.memory_space<vmem>> -> memref<64x256xf32, #tpu.memory_space<vmem>>
        %swap3A_361 = arith.index_cast %scan3A_243 : i32 to index
        %swap3A_362 = arith.constant 80 : index
        %swap3A_363 = tpu.vector_load %swap3A_360[%swap3A_361, %swap3A_362] {strides = array<i32>} : memref<64x256xf32, #tpu.memory_space<vmem>>, vector<1x16xf32>,
        %swap3A_364 = vector.shape_cast %swap3A_363 : vector<1x16xf32> to vector<16xf32>
        %swap3A_365 = vector.shape_cast %add3A_356 : vector<16xf32> to vector<1x16xf32>
        tpu.vector_store %swap3A_360[%swap3A_361, %swap3A_362], %swap3A_365 {strides = array<i32>} : memref<64x256xf32, #tpu.memory_space<vmem>>, vector<1x16xf32>,
        %get3A_366 = arith.constant 0 : i32
        %get3A_367 = arith.constant 0 : i32
        %get3A_368 = tpu.memref_slice %arg4[%scan3A_152, %get3A_366, %get3A_367] : memref<2x64x256xf32, #tpu.memory_space<vmem>> -> memref<1x64x256xf32, #tpu.memory_space<vmem>>
        %get3A_369 = tpu.memref_squeeze %get3A_368 : memref<1x64x256xf32, #tpu.memory_space<vmem>> -> memref<64x256xf32, #tpu.memory_space<vmem>>
        %get3A_370 = arith.index_cast %scan3A_243 : i32 to index
        %get3A_371 = arith.constant 96 : index
        %get3A_372 = tpu.vector_load %get3A_369[%get3A_370, %get3A_371] {strides = array<i32>} : memref<64x256xf32, #tpu.memory_space<vmem>>, vector<1x16xf32>,
        %get3A_373 = vector.shape_cast %get3A_372 : vector<1x16xf32> to vector<16xf32>
        %add3A_374 = arith.addf %scan3A_250, %get3A_373 : vector<16xf32>
        %swap3A_375 = arith.constant 0 : i32
        %swap3A_376 = arith.constant 0 : i32
        %swap3A_377 = tpu.memref_slice %arg5[%scan3A_153, %swap3A_375, %swap3A_376] : memref<2x64x256xf32, #tpu.memory_space<vmem>> -> memref<1x64x256xf32, #tpu.memory_space<vmem>>
        %swap3A_378 = tpu.memref_squeeze %swap3A_377 : memref<1x64x256xf32, #tpu.memory_space<vmem>> -> memref<64x256xf32, #tpu.memory_space<vmem>>
        %swap3A_379 = arith.index_cast %scan3A_243 : i32 to index
        %swap3A_380 = arith.constant 96 : index
        %swap3A_381 = tpu.vector_load %swap3A_378[%swap3A_379, %swap3A_380] {strides = array<i32>} : memref<64x256xf32, #tpu.memory_space<vmem>>, vector<1x16xf32>,
        %swap3A_382 = vector.shape_cast %swap3A_381 : vector<1x16xf32> to vector<16xf32>
        %swap3A_383 = vector.shape_cast %add3A_374 : vector<16xf32> to vector<1x16xf32>
        tpu.vector_store %swap3A_378[%swap3A_379, %swap3A_380], %swap3A_383 {strides = array<i32>} : memref<64x256xf32, #tpu.memory_space<vmem>>, vector<1x16xf32>,
        %get3A_384 = arith.constant 0 : i32
        %get3A_385 = arith.constant 0 : i32
        %get3A_386 = tpu.memref_slice %arg4[%scan3A_152, %get3A_384, %get3A_385] : memref<2x64x256xf32, #tpu.memory_space<vmem>> -> memref<1x64x256xf32, #tpu.memory_space<vmem>>
        %get3A_387 = tpu.memref_squeeze %get3A_386 : memref<1x64x256xf32, #tpu.memory_space<vmem>> -> memref<64x256xf32, #tpu.memory_space<vmem>>
        %get3A_388 = arith.index_cast %scan3A_243 : i32 to index
        %get3A_389 = arith.constant 112 : index
        %get3A_390 = tpu.vector_load %get3A_387[%get3A_388, %get3A_389] {strides = array<i32>} : memref<64x256xf32, #tpu.memory_space<vmem>>, vector<1x16xf32>,
        %get3A_391 = vector.shape_cast %get3A_390 : vector<1x16xf32> to vector<16xf32>
        %add3A_392 = arith.addf %scan3A_251, %get3A_391 : vector<16xf32>
        %swap3A_393 = arith.constant 0 : i32
        %swap3A_394 = arith.constant 0 : i32
        %swap3A_395 = tpu.memref_slice %arg5[%scan3A_153, %swap3A_393, %swap3A_394] : memref<2x64x256xf32, #tpu.memory_space<vmem>> -> memref<1x64x256xf32, #tpu.memory_space<vmem>>
        %swap3A_396 = tpu.memref_squeeze %swap3A_395 : memref<1x64x256xf32, #tpu.memory_space<vmem>> -> memref<64x256xf32, #tpu.memory_space<vmem>>
        %swap3A_397 = arith.index_cast %scan3A_243 : i32 to index
        %swap3A_398 = arith.constant 112 : index
        %swap3A_399 = tpu.vector_load %swap3A_396[%swap3A_397, %swap3A_398] {strides = array<i32>} : memref<64x256xf32, #tpu.memory_space<vmem>>, vector<1x16xf32>,
        %swap3A_400 = vector.shape_cast %swap3A_399 : vector<1x16xf32> to vector<16xf32>
        %swap3A_401 = vector.shape_cast %add3A_392 : vector<16xf32> to vector<1x16xf32>
        tpu.vector_store %swap3A_396[%swap3A_397, %swap3A_398], %swap3A_401 {strides = array<i32>} : memref<64x256xf32, #tpu.memory_space<vmem>>, vector<1x16xf32>,
        %get3A_402 = arith.constant 0 : i32
        %get3A_403 = arith.constant 0 : i32
        %get3A_404 = tpu.memref_slice %arg4[%scan3A_152, %get3A_402, %get3A_403] : memref<2x64x256xf32, #tpu.memory_space<vmem>> -> memref<1x64x256xf32, #tpu.memory_space<vmem>>
        %get3A_405 = tpu.memref_squeeze %get3A_404 : memref<1x64x256xf32, #tpu.memory_space<vmem>> -> memref<64x256xf32, #tpu.memory_space<vmem>>
        %get3A_406 = arith.index_cast %scan3A_243 : i32 to index
        %get3A_407 = arith.constant 128 : index
        %get3A_408 = tpu.vector_load %get3A_405[%get3A_406, %get3A_407] {strides = array<i32>} : memref<64x256xf32, #tpu.memory_space<vmem>>, vector<1x16xf32>,
        %get3A_409 = vector.shape_cast %get3A_408 : vector<1x16xf32> to vector<16xf32>
        %add3A_410 = arith.addf %scan3A_252, %get3A_409 : vector<16xf32>
        %swap3A_411 = arith.constant 0 : i32
        %swap3A_412 = arith.constant 0 : i32
        %swap3A_413 = tpu.memref_slice %arg5[%scan3A_153, %swap3A_411, %swap3A_412] : memref<2x64x256xf32, #tpu.memory_space<vmem>> -> memref<1x64x256xf32, #tpu.memory_space<vmem>>
        %swap3A_414 = tpu.memref_squeeze %swap3A_413 : memref<1x64x256xf32, #tpu.memory_space<vmem>> -> memref<64x256xf32, #tpu.memory_space<vmem>>
        %swap3A_415 = arith.index_cast %scan3A_243 : i32 to index
        %swap3A_416 = arith.constant 128 : index
        %swap3A_417 = tpu.vector_load %swap3A_414[%swap3A_415, %swap3A_416] {strides = array<i32>} : memref<64x256xf32, #tpu.memory_space<vmem>>, vector<1x16xf32>,
        %swap3A_418 = vector.shape_cast %swap3A_417 : vector<1x16xf32> to vector<16xf32>
        %swap3A_419 = vector.shape_cast %add3A_410 : vector<16xf32> to vector<1x16xf32>
        tpu.vector_store %swap3A_414[%swap3A_415, %swap3A_416], %swap3A_419 {strides = array<i32>} : memref<64x256xf32, #tpu.memory_space<vmem>>, vector<1x16xf32>,
        %get3A_420 = arith.constant 0 : i32
        %get3A_421 = arith.constant 0 : i32
        %get3A_422 = tpu.memref_slice %arg4[%scan3A_152, %get3A_420, %get3A_421] : memref<2x64x256xf32, #tpu.memory_space<vmem>> -> memref<1x64x256xf32, #tpu.memory_space<vmem>>
        %get3A_423 = tpu.memref_squeeze %get3A_422 : memref<1x64x256xf32, #tpu.memory_space<vmem>> -> memref<64x256xf32, #tpu.memory_space<vmem>>
        %get3A_424 = arith.index_cast %scan3A_243 : i32 to index
        %get3A_425 = arith.constant 144 : index
        %get3A_426 = tpu.vector_load %get3A_423[%get3A_424, %get3A_425] {strides = array<i32>} : memref<64x256xf32, #tpu.memory_space<vmem>>, vector<1x16xf32>,
        %get3A_427 = vector.shape_cast %get3A_426 : vector<1x16xf32> to vector<16xf32>
        %add3A_428 = arith.addf %scan3A_253, %get3A_427 : vector<16xf32>
        %swap3A_429 = arith.constant 0 : i32
        %swap3A_430 = arith.constant 0 : i32
        %swap3A_431 = tpu.memref_slice %arg5[%scan3A_153, %swap3A_429, %swap3A_430] : memref<2x64x256xf32, #tpu.memory_space<vmem>> -> memref<1x64x256xf32, #tpu.memory_space<vmem>>
        %swap3A_432 = tpu.memref_squeeze %swap3A_431 : memref<1x64x256xf32, #tpu.memory_space<vmem>> -> memref<64x256xf32, #tpu.memory_space<vmem>>
        %swap3A_433 = arith.index_cast %scan3A_243 : i32 to index
        %swap3A_434 = arith.constant 144 : index
        %swap3A_435 = tpu.vector_load %swap3A_432[%swap3A_433, %swap3A_434] {strides = array<i32>} : memref<64x256xf32, #tpu.memory_space<vmem>>, vector<1x16xf32>,
        %swap3A_436 = vector.shape_cast %swap3A_435 : vector<1x16xf32> to vector<16xf32>
        %swap3A_437 = vector.shape_cast %add3A_428 : vector<16xf32> to vector<1x16xf32>
        tpu.vector_store %swap3A_432[%swap3A_433, %swap3A_434], %swap3A_437 {strides = array<i32>} : memref<64x256xf32, #tpu.memory_space<vmem>>, vector<1x16xf32>,
        %get3A_438 = arith.constant 0 : i32
        %get3A_439 = arith.constant 0 : i32
        %get3A_440 = tpu.memref_slice %arg4[%scan3A_152, %get3A_438, %get3A_439] : memref<2x64x256xf32, #tpu.memory_space<vmem>> -> memref<1x64x256xf32, #tpu.memory_space<vmem>>
        %get3A_441 = tpu.memref_squeeze %get3A_440 : memref<1x64x256xf32, #tpu.memory_space<vmem>> -> memref<64x256xf32, #tpu.memory_space<vmem>>
        %get3A_442 = arith.index_cast %scan3A_243 : i32 to index
        %get3A_443 = arith.constant 160 : index
        %get3A_444 = tpu.vector_load %get3A_441[%get3A_442, %get3A_443] {strides = array<i32>} : memref<64x256xf32, #tpu.memory_space<vmem>>, vector<1x16xf32>,
        %get3A_445 = vector.shape_cast %get3A_444 : vector<1x16xf32> to vector<16xf32>
        %add3A_446 = arith.addf %scan3A_254, %get3A_445 : vector<16xf32>
        %swap3A_447 = arith.constant 0 : i32
        %swap3A_448 = arith.constant 0 : i32
        %swap3A_449 = tpu.memref_slice %arg5[%scan3A_153, %swap3A_447, %swap3A_448] : memref<2x64x256xf32, #tpu.memory_space<vmem>> -> memref<1x64x256xf32, #tpu.memory_space<vmem>>
        %swap3A_450 = tpu.memref_squeeze %swap3A_449 : memref<1x64x256xf32, #tpu.memory_space<vmem>> -> memref<64x256xf32, #tpu.memory_space<vmem>>
        %swap3A_451 = arith.index_cast %scan3A_243 : i32 to index
        %swap3A_452 = arith.constant 160 : index
        %swap3A_453 = tpu.vector_load %swap3A_450[%swap3A_451, %swap3A_452] {strides = array<i32>} : memref<64x256xf32, #tpu.memory_space<vmem>>, vector<1x16xf32>,
        %swap3A_454 = vector.shape_cast %swap3A_453 : vector<1x16xf32> to vector<16xf32>
        %swap3A_455 = vector.shape_cast %add3A_446 : vector<16xf32> to vector<1x16xf32>
        tpu.vector_store %swap3A_450[%swap3A_451, %swap3A_452], %swap3A_455 {strides = array<i32>} : memref<64x256xf32, #tpu.memory_space<vmem>>, vector<1x16xf32>,
        %get3A_456 = arith.constant 0 : i32
        %get3A_457 = arith.constant 0 : i32
        %get3A_458 = tpu.memref_slice %arg4[%scan3A_152, %get3A_456, %get3A_457] : memref<2x64x256xf32, #tpu.memory_space<vmem>> -> memref<1x64x256xf32, #tpu.memory_space<vmem>>
        %get3A_459 = tpu.memref_squeeze %get3A_458 : memref<1x64x256xf32, #tpu.memory_space<vmem>> -> memref<64x256xf32, #tpu.memory_space<vmem>>
        %get3A_460 = arith.index_cast %scan3A_243 : i32 to index
        %get3A_461 = arith.constant 176 : index
        %get3A_462 = tpu.vector_load %get3A_459[%get3A_460, %get3A_461] {strides = array<i32>} : memref<64x256xf32, #tpu.memory_space<vmem>>, vector<1x16xf32>,
        %get3A_463 = vector.shape_cast %get3A_462 : vector<1x16xf32> to vector<16xf32>
        %add3A_464 = arith.addf %scan3A_255, %get3A_463 : vector<16xf32>
        %swap3A_465 = arith.constant 0 : i32
        %swap3A_466 = arith.constant 0 : i32
        %swap3A_467 = tpu.memref_slice %arg5[%scan3A_153, %swap3A_465, %swap3A_466] : memref<2x64x256xf32, #tpu.memory_space<vmem>> -> memref<1x64x256xf32, #tpu.memory_space<vmem>>
        %swap3A_468 = tpu.memref_squeeze %swap3A_467 : memref<1x64x256xf32, #tpu.memory_space<vmem>> -> memref<64x256xf32, #tpu.memory_space<vmem>>
        %swap3A_469 = arith.index_cast %scan3A_243 : i32 to index
        %swap3A_470 = arith.constant 176 : index
        %swap3A_471 = tpu.vector_load %swap3A_468[%swap3A_469, %swap3A_470] {strides = array<i32>} : memref<64x256xf32, #tpu.memory_space<vmem>>, vector<1x16xf32>,
        %swap3A_472 = vector.shape_cast %swap3A_471 : vector<1x16xf32> to vector<16xf32>
        %swap3A_473 = vector.shape_cast %add3A_464 : vector<16xf32> to vector<1x16xf32>
        tpu.vector_store %swap3A_468[%swap3A_469, %swap3A_470], %swap3A_473 {strides = array<i32>} : memref<64x256xf32, #tpu.memory_space<vmem>>, vector<1x16xf32>,
        %get3A_474 = arith.constant 0 : i32
        %get3A_475 = arith.constant 0 : i32
        %get3A_476 = tpu.memref_slice %arg4[%scan3A_152, %get3A_474, %get3A_475] : memref<2x64x256xf32, #tpu.memory_space<vmem>> -> memref<1x64x256xf32, #tpu.memory_space<vmem>>
        %get3A_477 = tpu.memref_squeeze %get3A_476 : memref<1x64x256xf32, #tpu.memory_space<vmem>> -> memref<64x256xf32, #tpu.memory_space<vmem>>
        %get3A_478 = arith.index_cast %scan3A_243 : i32 to index
        %get3A_479 = arith.constant 192 : index
        %get3A_480 = tpu.vector_load %get3A_477[%get3A_478, %get3A_479] {strides = array<i32>} : memref<64x256xf32, #tpu.memory_space<vmem>>, vector<1x16xf32>,
        %get3A_481 = vector.shape_cast %get3A_480 : vector<1x16xf32> to vector<16xf32>
        %add3A_482 = arith.addf %scan3A_256, %get3A_481 : vector<16xf32>
        %swap3A_483 = arith.constant 0 : i32
        %swap3A_484 = arith.constant 0 : i32
        %swap3A_485 = tpu.memref_slice %arg5[%scan3A_153, %swap3A_483, %swap3A_484] : memref<2x64x256xf32, #tpu.memory_space<vmem>> -> memref<1x64x256xf32, #tpu.memory_space<vmem>>
        %swap3A_486 = tpu.memref_squeeze %swap3A_485 : memref<1x64x256xf32, #tpu.memory_space<vmem>> -> memref<64x256xf32, #tpu.memory_space<vmem>>
        %swap3A_487 = arith.index_cast %scan3A_243 : i32 to index
        %swap3A_488 = arith.constant 192 : index
        %swap3A_489 = tpu.vector_load %swap3A_486[%swap3A_487, %swap3A_488] {strides = array<i32>} : memref<64x256xf32, #tpu.memory_space<vmem>>, vector<1x16xf32>,
        %swap3A_490 = vector.shape_cast %swap3A_489 : vector<1x16xf32> to vector<16xf32>
        %swap3A_491 = vector.shape_cast %add3A_482 : vector<16xf32> to vector<1x16xf32>
        tpu.vector_store %swap3A_486[%swap3A_487, %swap3A_488], %swap3A_491 {strides = array<i32>} : memref<64x256xf32, #tpu.memory_space<vmem>>, vector<1x16xf32>,
        %get3A_492 = arith.constant 0 : i32
        %get3A_493 = arith.constant 0 : i32
        %get3A_494 = tpu.memref_slice %arg4[%scan3A_152, %get3A_492, %get3A_493] : memref<2x64x256xf32, #tpu.memory_space<vmem>> -> memref<1x64x256xf32, #tpu.memory_space<vmem>>
        %get3A_495 = tpu.memref_squeeze %get3A_494 : memref<1x64x256xf32, #tpu.memory_space<vmem>> -> memref<64x256xf32, #tpu.memory_space<vmem>>
        %get3A_496 = arith.index_cast %scan3A_243 : i32 to index
        %get3A_497 = arith.constant 208 : index
        %get3A_498 = tpu.vector_load %get3A_495[%get3A_496, %get3A_497] {strides = array<i32>} : memref<64x256xf32, #tpu.memory_space<vmem>>, vector<1x16xf32>,
        %get3A_499 = vector.shape_cast %get3A_498 : vector<1x16xf32> to vector<16xf32>
        %add3A_500 = arith.addf %scan3A_257, %get3A_499 : vector<16xf32>
        %swap3A_501 = arith.constant 0 : i32
        %swap3A_502 = arith.constant 0 : i32
        %swap3A_503 = tpu.memref_slice %arg5[%scan3A_153, %swap3A_501, %swap3A_502] : memref<2x64x256xf32, #tpu.memory_space<vmem>> -> memref<1x64x256xf32, #tpu.memory_space<vmem>>
        %swap3A_504 = tpu.memref_squeeze %swap3A_503 : memref<1x64x256xf32, #tpu.memory_space<vmem>> -> memref<64x256xf32, #tpu.memory_space<vmem>>
        %swap3A_505 = arith.index_cast %scan3A_243 : i32 to index
        %swap3A_506 = arith.constant 208 : index
        %swap3A_507 = tpu.vector_load %swap3A_504[%swap3A_505, %swap3A_506] {strides = array<i32>} : memref<64x256xf32, #tpu.memory_space<vmem>>, vector<1x16xf32>,
        %swap3A_508 = vector.shape_cast %swap3A_507 : vector<1x16xf32> to vector<16xf32>
        %swap3A_509 = vector.shape_cast %add3A_500 : vector<16xf32> to vector<1x16xf32>
        tpu.vector_store %swap3A_504[%swap3A_505, %swap3A_506], %swap3A_509 {strides = array<i32>} : memref<64x256xf32, #tpu.memory_space<vmem>>, vector<1x16xf32>,
        %get3A_510 = arith.constant 0 : i32
        %get3A_511 = arith.constant 0 : i32
        %get3A_512 = tpu.memref_slice %arg4[%scan3A_152, %get3A_510, %get3A_511] : memref<2x64x256xf32, #tpu.memory_space<vmem>> -> memref<1x64x256xf32, #tpu.memory_space<vmem>>
        %get3A_513 = tpu.memref_squeeze %get3A_512 : memref<1x64x256xf32, #tpu.memory_space<vmem>> -> memref<64x256xf32, #tpu.memory_space<vmem>>
        %get3A_514 = arith.index_cast %scan3A_243 : i32 to index
        %get3A_515 = arith.constant 224 : index
        %get3A_516 = tpu.vector_load %get3A_513[%get3A_514, %get3A_515] {strides = array<i32>} : memref<64x256xf32, #tpu.memory_space<vmem>>, vector<1x16xf32>,
        %get3A_517 = vector.shape_cast %get3A_516 : vector<1x16xf32> to vector<16xf32>
        %add3A_518 = arith.addf %scan3A_258, %get3A_517 : vector<16xf32>
        %swap3A_519 = arith.constant 0 : i32
        %swap3A_520 = arith.constant 0 : i32
        %swap3A_521 = tpu.memref_slice %arg5[%scan3A_153, %swap3A_519, %swap3A_520] : memref<2x64x256xf32, #tpu.memory_space<vmem>> -> memref<1x64x256xf32, #tpu.memory_space<vmem>>
        %swap3A_522 = tpu.memref_squeeze %swap3A_521 : memref<1x64x256xf32, #tpu.memory_space<vmem>> -> memref<64x256xf32, #tpu.memory_space<vmem>>
        %swap3A_523 = arith.index_cast %scan3A_243 : i32 to index
        %swap3A_524 = arith.constant 224 : index
        %swap3A_525 = tpu.vector_load %swap3A_522[%swap3A_523, %swap3A_524] {strides = array<i32>} : memref<64x256xf32, #tpu.memory_space<vmem>>, vector<1x16xf32>,
        %swap3A_526 = vector.shape_cast %swap3A_525 : vector<1x16xf32> to vector<16xf32>
        %swap3A_527 = vector.shape_cast %add3A_518 : vector<16xf32> to vector<1x16xf32>
        tpu.vector_store %swap3A_522[%swap3A_523, %swap3A_524], %swap3A_527 {strides = array<i32>} : memref<64x256xf32, #tpu.memory_space<vmem>>, vector<1x16xf32>,
        %get3A_528 = arith.constant 0 : i32
        %get3A_529 = arith.constant 0 : i32
        %get3A_530 = tpu.memref_slice %arg4[%scan3A_152, %get3A_528, %get3A_529] : memref<2x64x256xf32, #tpu.memory_space<vmem>> -> memref<1x64x256xf32, #tpu.memory_space<vmem>>
        %get3A_531 = tpu.memref_squeeze %get3A_530 : memref<1x64x256xf32, #tpu.memory_space<vmem>> -> memref<64x256xf32, #tpu.memory_space<vmem>>
        %get3A_532 = arith.index_cast %scan3A_243 : i32 to index
        %get3A_533 = arith.constant 240 : index
        %get3A_534 = tpu.vector_load %get3A_531[%get3A_532, %get3A_533] {strides = array<i32>} : memref<64x256xf32, #tpu.memory_space<vmem>>, vector<1x16xf32>,
        %get3A_535 = vector.shape_cast %get3A_534 : vector<1x16xf32> to vector<16xf32>
        %add3A_536 = arith.addf %scan3A_259, %get3A_535 : vector<16xf32>
        %swap3A_537 = arith.constant 0 : i32
        %swap3A_538 = arith.constant 0 : i32
        %swap3A_539 = tpu.memref_slice %arg5[%scan3A_153, %swap3A_537, %swap3A_538] : memref<2x64x256xf32, #tpu.memory_space<vmem>> -> memref<1x64x256xf32, #tpu.memory_space<vmem>>
        %swap3A_540 = tpu.memref_squeeze %swap3A_539 : memref<1x64x256xf32, #tpu.memory_space<vmem>> -> memref<64x256xf32, #tpu.memory_space<vmem>>
        %swap3A_541 = arith.index_cast %scan3A_243 : i32 to index
        %swap3A_542 = arith.constant 240 : index
        %swap3A_543 = tpu.vector_load %swap3A_540[%swap3A_541, %swap3A_542] {strides = array<i32>} : memref<64x256xf32, #tpu.memory_space<vmem>>, vector<1x16xf32>,
        %swap3A_544 = vector.shape_cast %swap3A_543 : vector<1x16xf32> to vector<16xf32>
        %swap3A_545 = vector.shape_cast %add3A_536 : vector<16xf32> to vector<1x16xf32>
        tpu.vector_store %swap3A_540[%swap3A_541, %swap3A_542], %swap3A_545 {strides = array<i32>} : memref<64x256xf32, #tpu.memory_space<vmem>>, vector<1x16xf32>,
        scf.yield %add3A_267, %add3A_284, %add3A_302, %add3A_320, %add3A_338, %add3A_356, %add3A_374, %add3A_392, %add3A_410, %add3A_428, %add3A_446, %add3A_464, %add3A_482, %add3A_500, %add3A_518, %add3A_536 : vector<16xf32>, vector<16xf32>, vector<16xf32>, vector<16xf32>, vector<16xf32>, vector<16xf32>, vector<16xf32>, vector<16xf32>, vector<16xf32>, vector<16xf32>, vector<16xf32>, vector<16xf32>, vector<16xf32>, vector<16xf32>, vector<16xf32>, vector<16xf32>
      }
      %scan3A_159 = arith.constant 64 : i32
      %add3A_160 = arith.constant 2 : i32
      %add3A_161 = arith.addi %add3A_131, %add3A_160 : i32
      %lt3A_162 = arith.constant 64 : i32
      %lt3A_163 = arith.cmpi slt, %add3A_161, %lt3A_162 : i32
      %convert_element_type3A_164 = arith.extui %lt3A_163 : i1 to i32
      %cond3A_165 = arith.constant 0 : i32
      %cond3A_166 = arith.cmpi ne, %convert_element_type3A_164, %cond3A_165 : i32
      scf.if %cond3A_166 {
        %add3A_243 = arith.constant 2 : i32
        %add3A_244 = arith.addi %add3A_131, %add3A_243 : i32
        %mul3A_245 = arith.constant 64 : i32
        %mul3A_246 = arith.muli %add3A_244, %mul3A_245 : i32
        %dma_start3A_247 = arith.constant 0 : i32
        %dma_start3A_248 = arith.constant 0 : i32
        %dma_start3A_249 = arith.constant 0 : i32
        %dma_start3A_250 = arith.constant 0 : i32
        %dma_start3A_251 = tpu.memref_slice %arg4[%dma_start3A_247, %dma_start3A_249, %dma_start3A_250] : memref<2x64x256xf32, #tpu.memory_space<vmem>> -> memref<1x64x256xf32, #tpu.memory_space<vmem>>
        %dma_start3A_252 = tpu.memref_squeeze %dma_start3A_251 : memref<1x64x256xf32, #tpu.memory_space<vmem>> -> memref<64x256xf32, #tpu.memory_space<vmem>>
        %dma_start3A_253 = tpu.memref_slice %arg2[%select_n3A, %mul3A_246, %mul3A_32] : memref<4x4096x2048xf32, #tpu.memory_space<hbm>> -> memref<1x64x256xf32, #tpu.memory_space<hbm>>
        %dma_start3A_254 = tpu.memref_squeeze %dma_start3A_253 : memref<1x64x256xf32, #tpu.memory_space<hbm>> -> memref<64x256xf32, #tpu.memory_space<hbm>>
        %dma_start3A_255 = tpu.memref_slice %arg6[%dma_start3A_248] : memref<2x!tpu.dma_semaphore, #tpu.memory_space<semaphore_mem>> -> memref<1x!tpu.dma_semaphore, #tpu.memory_space<semaphore_mem>>
        %dma_start3A_256 = tpu.memref_squeeze %dma_start3A_255 : memref<1x!tpu.dma_semaphore, #tpu.memory_space<semaphore_mem>> -> memref<!tpu.dma_semaphore, #tpu.memory_space<semaphore_mem>>
        %dma_start3A_257 = arith.constant 0 : i32
        %dma_start3A_258 = arith.constant 0 : i32
        %dma_start3A_259 = tpu.memref_slice %arg4[%dma_start3A_247, %dma_start3A_257, %dma_start3A_258] : memref<2x64x256xf32, #tpu.memory_space<vmem>> -> memref<1x64x256xf32, #tpu.memory_space<vmem>>
        %dma_start3A_260 = tpu.memref_squeeze %dma_start3A_259 : memref<1x64x256xf32, #tpu.memory_space<vmem>> -> memref<64x256xf32, #tpu.memory_space<vmem>>
        %dma_start3A_261 = tpu.memref_slice %arg2[%select_n3A, %mul3A_246, %mul3A_32] : memref<4x4096x2048xf32, #tpu.memory_space<hbm>> -> memref<1x64x256xf32, #tpu.memory_space<hbm>>
        %dma_start3A_262 = tpu.memref_squeeze %dma_start3A_261 : memref<1x64x256xf32, #tpu.memory_space<hbm>> -> memref<64x256xf32, #tpu.memory_space<hbm>>
        tpu.enqueue_dma source(%dma_start3A_262 : memref<64x256xf32, #tpu.memory_space<hbm>>) target(%dma_start3A_260 : memref<64x256xf32, #tpu.memory_space<vmem>>) target_semaphore(%dma_start3A_256 : memref<!tpu.dma_semaphore, #tpu.memory_space<semaphore_mem>>)
      } else {
      }
      %mul3A_167 = arith.constant 64 : i32
      %mul3A_168 = arith.muli %add3A_131, %mul3A_167 : i32
      %dma_start3A_169 = arith.constant 0 : i32
      %dma_start3A_170 = arith.constant 0 : i32
      %dma_start3A_171 = arith.constant 0 : i32
      %dma_start3A_172 = arith.constant 0 : i32
      %dma_start3A_173 = tpu.memref_slice %arg5[%dma_start3A_169, %dma_start3A_171, %dma_start3A_172] : memref<2x64x256xf32, #tpu.memory_space<vmem>> -> memref<1x64x256xf32, #tpu.memory_space<vmem>>
      %dma_start3A_174 = tpu.memref_squeeze %dma_start3A_173 : memref<1x64x256xf32, #tpu.memory_space<vmem>> -> memref<64x256xf32, #tpu.memory_space<vmem>>
      %dma_start3A_175 = tpu.memref_slice %arg3[%select_n3A, %mul3A_168, %mul3A_32] : memref<4x4096x2048xf32, #tpu.memory_space<hbm>> -> memref<1x64x256xf32, #tpu.memory_space<hbm>>
      %dma_start3A_176 = tpu.memref_squeeze %dma_start3A_175 : memref<1x64x256xf32, #tpu.memory_space<hbm>> -> memref<64x256xf32, #tpu.memory_space<hbm>>
      %dma_start3A_177 = tpu.memref_slice %arg7[%dma_start3A_170] : memref<2x!tpu.dma_semaphore, #tpu.memory_space<semaphore_mem>> -> memref<1x!tpu.dma_semaphore, #tpu.memory_space<semaphore_mem>>
      %dma_start3A_178 = tpu.memref_squeeze %dma_start3A_177 : memref<1x!tpu.dma_semaphore, #tpu.memory_space<semaphore_mem>> -> memref<!tpu.dma_semaphore, #tpu.memory_space<semaphore_mem>>
      %dma_start3A_179 = tpu.memref_slice %arg3[%select_n3A, %mul3A_168, %mul3A_32] : memref<4x4096x2048xf32, #tpu.memory_space<hbm>> -> memref<1x64x256xf32, #tpu.memory_space<hbm>>
      %dma_start3A_180 = tpu.memref_squeeze %dma_start3A_179 : memref<1x64x256xf32, #tpu.memory_space<hbm>> -> memref<64x256xf32, #tpu.memory_space<hbm>>
      %dma_start3A_181 = arith.constant 0 : i32
      %dma_start3A_182 = arith.constant 0 : i32
      %dma_start3A_183 = tpu.memref_slice %arg5[%dma_start3A_169, %dma_start3A_181, %dma_start3A_182] : memref<2x64x256xf32, #tpu.memory_space<vmem>> -> memref<1x64x256xf32, #tpu.memory_space<vmem>>
      %dma_start3A_184 = tpu.memref_squeeze %dma_start3A_183 : memref<1x64x256xf32, #tpu.memory_space<vmem>> -> memref<64x256xf32, #tpu.memory_space<vmem>>
      tpu.enqueue_dma source(%dma_start3A_184 : memref<64x256xf32, #tpu.memory_space<vmem>>) target(%dma_start3A_180 : memref<64x256xf32, #tpu.memory_space<hbm>>) target_semaphore(%dma_start3A_178 : memref<!tpu.dma_semaphore, #tpu.memory_space<semaphore_mem>>)
      %add3A_185 = arith.constant 1 : i32
      %add3A_186 = arith.addi %add3A_129, %add3A_185 : i32
      %mul3A_187 = arith.constant 64 : i32
      %mul3A_188 = arith.muli %add3A_186, %mul3A_187 : i32
      %dma_wait3A_189 = arith.constant 1 : i32
      %dma_wait3A_190 = arith.constant 1 : i32
      %dma_wait3A_191 = arith.constant 0 : i32
      %dma_wait3A_192 = arith.constant 0 : i32
      %dma_wait3A_193 = tpu.memref_slice %arg4[%dma_wait3A_189, %dma_wait3A_191, %dma_wait3A_192] : memref<2x64x256xf32, #tpu.memory_space<vmem>> -> memref<1x64x256xf32, #tpu.memory_space<vmem>>
      %dma_wait3A_194 = tpu.memref_squeeze %dma_wait3A_193 : memref<1x64x256xf32, #tpu.memory_space<vmem>> -> memref<64x256xf32, #tpu.memory_space<vmem>>
      %dma_wait3A_195 = tpu.memref_slice %arg2[%select_n3A, %mul3A_188, %mul3A_32] : memref<4x4096x2048xf32, #tpu.memory_space<hbm>> -> memref<1x64x256xf32, #tpu.memory_space<hbm>>
      %dma_wait3A_196 = tpu.memref_squeeze %dma_wait3A_195 : memref<1x64x256xf32, #tpu.memory_space<hbm>> -> memref<64x256xf32, #tpu.memory_space<hbm>>
      %dma_wait3A_197 = tpu.memref_slice %arg6[%dma_wait3A_190] : memref<2x!tpu.dma_semaphore, #tpu.memory_space<semaphore_mem>> -> memref<1x!tpu.dma_semaphore, #tpu.memory_space<semaphore_mem>>
      %dma_wait3A_198 = tpu.memref_squeeze %dma_wait3A_197 : memref<1x!tpu.dma_semaphore, #tpu.memory_space<semaphore_mem>> -> memref<!tpu.dma_semaphore, #tpu.memory_space<semaphore_mem>>
      %dma_wait3A_199 = arith.constant 0 : i32
      %dma_wait3A_200 = arith.constant 0 : i32
      %dma_wait3A_201 = tpu.memref_slice %arg4[%dma_wait3A_189, %dma_wait3A_199, %dma_wait3A_200] : memref<2x64x256xf32, #tpu.memory_space<vmem>> -> memref<1x64x256xf32, #tpu.memory_space<vmem>>
      %dma_wait3A_202 = tpu.memref_squeeze %dma_wait3A_201 : memref<1x64x256xf32, #tpu.memory_space<vmem>> -> memref<64x256xf32, #tpu.memory_space<vmem>>
      %dma_wait3A_203 = tpu.memref_slice %arg2[%select_n3A, %mul3A_188, %mul3A_32] : memref<4x4096x2048xf32, #tpu.memory_space<hbm>> -> memref<1x64x256xf32, #tpu.memory_space<hbm>>
      %dma_wait3A_204 = tpu.memref_squeeze %dma_wait3A_203 : memref<1x64x256xf32, #tpu.memory_space<hbm>> -> memref<64x256xf32, #tpu.memory_space<hbm>>
      tpu.wait_dma2 semaphore(%dma_wait3A_198 : memref<!tpu.dma_semaphore, #tpu.memory_space<semaphore_mem>>) src(%dma_wait3A_204 : memref<64x256xf32, #tpu.memory_space<hbm>>) dst(%dma_wait3A_202 : memref<64x256xf32, #tpu.memory_space<vmem>>)
      %ge3A_205 = arith.constant 2 : i32
      %ge3A_206 = arith.cmpi sge, %add3A_186, %ge3A_205 : i32
      %convert_element_type3A_207 = arith.extui %ge3A_206 : i1 to i32
      %cond3A_208 = arith.constant 0 : i32
      %cond3A_209 = arith.cmpi ne, %convert_element_type3A_207, %cond3A_208 : i32
      scf.if %cond3A_209 {
        %sub3A_243 = arith.constant 2 : i32
        %sub3A_244 = arith.subi %add3A_186, %sub3A_243 : i32
        %mul3A_245 = arith.constant 64 : i32
        %mul3A_246 = arith.muli %sub3A_244, %mul3A_245 : i32
        %dma_wait3A_247 = arith.constant 1 : i32
        %dma_wait3A_248 = arith.constant 1 : i32
        %dma_wait3A_249 = arith.constant 0 : i32
        %dma_wait3A_250 = arith.constant 0 : i32
        %dma_wait3A_251 = tpu.memref_slice %arg5[%dma_wait3A_247, %dma_wait3A_249, %dma_wait3A_250] : memref<2x64x256xf32, #tpu.memory_space<vmem>> -> memref<1x64x256xf32, #tpu.memory_space<vmem>>
        %dma_wait3A_252 = tpu.memref_squeeze %dma_wait3A_251 : memref<1x64x256xf32, #tpu.memory_space<vmem>> -> memref<64x256xf32, #tpu.memory_space<vmem>>
        %dma_wait3A_253 = tpu.memref_slice %arg3[%select_n3A, %mul3A_246, %mul3A_32] : memref<4x4096x2048xf32, #tpu.memory_space<hbm>> -> memref<1x64x256xf32, #tpu.memory_space<hbm>>
        %dma_wait3A_254 = tpu.memref_squeeze %dma_wait3A_253 : memref<1x64x256xf32, #tpu.memory_space<hbm>> -> memref<64x256xf32, #tpu.memory_space<hbm>>
        %dma_wait3A_255 = tpu.memref_slice %arg7[%dma_wait3A_248] : memref<2x!tpu.dma_semaphore, #tpu.memory_space<semaphore_mem>> -> memref<1x!tpu.dma_semaphore, #tpu.memory_space<semaphore_mem>>
        %dma_wait3A_256 = tpu.memref_squeeze %dma_wait3A_255 : memref<1x!tpu.dma_semaphore, #tpu.memory_space<semaphore_mem>> -> memref<!tpu.dma_semaphore, #tpu.memory_space<semaphore_mem>>
        %dma_wait3A_257 = tpu.memref_slice %arg3[%select_n3A, %mul3A_246, %mul3A_32] : memref<4x4096x2048xf32, #tpu.memory_space<hbm>> -> memref<1x64x256xf32, #tpu.memory_space<hbm>>
        %dma_wait3A_258 = tpu.memref_squeeze %dma_wait3A_257 : memref<1x64x256xf32, #tpu.memory_space<hbm>> -> memref<64x256xf32, #tpu.memory_space<hbm>>
        %dma_wait3A_259 = arith.constant 0 : i32
        %dma_wait3A_260 = arith.constant 0 : i32
        %dma_wait3A_261 = tpu.memref_slice %arg5[%dma_wait3A_247, %dma_wait3A_259, %dma_wait3A_260] : memref<2x64x256xf32, #tpu.memory_space<vmem>> -> memref<1x64x256xf32, #tpu.memory_space<vmem>>
        %dma_wait3A_262 = tpu.memref_squeeze %dma_wait3A_261 : memref<1x64x256xf32, #tpu.memory_space<vmem>> -> memref<64x256xf32, #tpu.memory_space<vmem>>
        tpu.wait_dma2 semaphore(%dma_wait3A_256 : memref<!tpu.dma_semaphore, #tpu.memory_space<semaphore_mem>>) src(%dma_wait3A_262 : memref<64x256xf32, #tpu.memory_space<vmem>>) dst(%dma_wait3A_258 : memref<64x256xf32, #tpu.memory_space<hbm>>)
      } else {
      }
      %scan3A_210 = arith.constant 1 : i32
      %scan3A_211 = arith.constant 1 : i32
      %scan3A_212 = arith.constant 0 : i32
      %scan3A_213 = arith.constant 64 : i32
      %scan3A_214 = arith.addi %scan3A_212, %scan3A_213 : i32
      %scan3A_215 = arith.constant 1 : i32
      %scan3A_216:16 = scf.for %scan3A_243 = %scan3A_212 to %scan3A_214 step %scan3A_215 iter_args(%scan3A_244 = %scan3A_158#0, %scan3A_245 = %scan3A_158#1, %scan3A_246 = %scan3A_158#2, %scan3A_247 = %scan3A_158#3, %scan3A_248 = %scan3A_158#4, %scan3A_249 = %scan3A_158#5, %scan3A_250 = %scan3A_158#6, %scan3A_251 = %scan3A_158#7, %scan3A_252 = %scan3A_158#8, %scan3A_253 = %scan3A_158#9, %scan3A_254 = %scan3A_158#10, %scan3A_255 = %scan3A_158#11, %scan3A_256 = %scan3A_158#12, %scan3A_257 = %scan3A_158#13, %scan3A_258 = %scan3A_158#14, %scan3A_259 = %scan3A_158#15) -> (vector<16xf32>, vector<16xf32>, vector<16xf32>, vector<16xf32>, vector<16xf32>, vector<16xf32>, vector<16xf32>, vector<16xf32>, vector<16xf32>, vector<16xf32>, vector<16xf32>, vector<16xf32>, vector<16xf32>, vector<16xf32>, vector<16xf32>, vector<16xf32>)  : i32 {
        %get3A = arith.constant 0 : i32
        %get3A_260 = arith.constant 0 : i32
        %get3A_261 = tpu.memref_slice %arg4[%scan3A_210, %get3A, %get3A_260] : memref<2x64x256xf32, #tpu.memory_space<vmem>> -> memref<1x64x256xf32, #tpu.memory_space<vmem>>
        %get3A_262 = tpu.memref_squeeze %get3A_261 : memref<1x64x256xf32, #tpu.memory_space<vmem>> -> memref<64x256xf32, #tpu.memory_space<vmem>>
        %get3A_263 = arith.index_cast %scan3A_243 : i32 to index
        %get3A_264 = arith.constant 0 : index
        %get3A_265 = tpu.vector_load %get3A_262[%get3A_263, %get3A_264] {strides = array<i32>} : memref<64x256xf32, #tpu.memory_space<vmem>>, vector<1x16xf32>,
        %get3A_266 = vector.shape_cast %get3A_265 : vector<1x16xf32> to vector<16xf32>
        %add3A_267 = arith.addf %scan3A_244, %get3A_266 : vector<16xf32>
        %swap3A = arith.constant 0 : i32
        %swap3A_268 = arith.constant 0 : i32
        %swap3A_269 = tpu.memref_slice %arg5[%scan3A_211, %swap3A, %swap3A_268] : memref<2x64x256xf32, #tpu.memory_space<vmem>> -> memref<1x64x256xf32, #tpu.memory_space<vmem>>
        %swap3A_270 = tpu.memref_squeeze %swap3A_269 : memref<1x64x256xf32, #tpu.memory_space<vmem>> -> memref<64x256xf32, #tpu.memory_space<vmem>>
        %swap3A_271 = arith.index_cast %scan3A_243 : i32 to index
        %swap3A_272 = arith.constant 0 : index
        %swap3A_273 = tpu.vector_load %swap3A_270[%swap3A_271, %swap3A_272] {strides = array<i32>} : memref<64x256xf32, #tpu.memory_space<vmem>>, vector<1x16xf32>,
        %swap3A_274 = vector.shape_cast %swap3A_273 : vector<1x16xf32> to vector<16xf32>
        %swap3A_275 = vector.shape_cast %add3A_267 : vector<16xf32> to vector<1x16xf32>
        tpu.vector_store %swap3A_270[%swap3A_271, %swap3A_272], %swap3A_275 {strides = array<i32>} : memref<64x256xf32, #tpu.memory_space<vmem>>, vector<1x16xf32>,
        %get3A_276 = arith.constant 0 : i32
        %get3A_277 = arith.constant 0 : i32
        %get3A_278 = tpu.memref_slice %arg4[%scan3A_210, %get3A_276, %get3A_277] : memref<2x64x256xf32, #tpu.memory_space<vmem>> -> memref<1x64x256xf32, #tpu.memory_space<vmem>>
        %get3A_279 = tpu.memref_squeeze %get3A_278 : memref<1x64x256xf32, #tpu.memory_space<vmem>> -> memref<64x256xf32, #tpu.memory_space<vmem>>
        %get3A_280 = arith.index_cast %scan3A_243 : i32 to index
        %get3A_281 = arith.constant 16 : index
        %get3A_282 = tpu.vector_load %get3A_279[%get3A_280, %get3A_281] {strides = array<i32>} : memref<64x256xf32, #tpu.memory_space<vmem>>, vector<1x16xf32>,
        %get3A_283 = vector.shape_cast %get3A_282 : vector<1x16xf32> to vector<16xf32>
        %add3A_284 = arith.addf %scan3A_245, %get3A_283 : vector<16xf32>
        %swap3A_285 = arith.constant 0 : i32
        %swap3A_286 = arith.constant 0 : i32
        %swap3A_287 = tpu.memref_slice %arg5[%scan3A_211, %swap3A_285, %swap3A_286] : memref<2x64x256xf32, #tpu.memory_space<vmem>> -> memref<1x64x256xf32, #tpu.memory_space<vmem>>
        %swap3A_288 = tpu.memref_squeeze %swap3A_287 : memref<1x64x256xf32, #tpu.memory_space<vmem>> -> memref<64x256xf32, #tpu.memory_space<vmem>>
        %swap3A_289 = arith.index_cast %scan3A_243 : i32 to index
        %swap3A_290 = arith.constant 16 : index
        %swap3A_291 = tpu.vector_load %swap3A_288[%swap3A_289, %swap3A_290] {strides = array<i32>} : memref<64x256xf32, #tpu.memory_space<vmem>>, vector<1x16xf32>,
        %swap3A_292 = vector.shape_cast %swap3A_291 : vector<1x16xf32> to vector<16xf32>
        %swap3A_293 = vector.shape_cast %add3A_284 : vector<16xf32> to vector<1x16xf32>
        tpu.vector_store %swap3A_288[%swap3A_289, %swap3A_290], %swap3A_293 {strides = array<i32>} : memref<64x256xf32, #tpu.memory_space<vmem>>, vector<1x16xf32>,
        %get3A_294 = arith.constant 0 : i32
        %get3A_295 = arith.constant 0 : i32
        %get3A_296 = tpu.memref_slice %arg4[%scan3A_210, %get3A_294, %get3A_295] : memref<2x64x256xf32, #tpu.memory_space<vmem>> -> memref<1x64x256xf32, #tpu.memory_space<vmem>>
        %get3A_297 = tpu.memref_squeeze %get3A_296 : memref<1x64x256xf32, #tpu.memory_space<vmem>> -> memref<64x256xf32, #tpu.memory_space<vmem>>
        %get3A_298 = arith.index_cast %scan3A_243 : i32 to index
        %get3A_299 = arith.constant 32 : index
        %get3A_300 = tpu.vector_load %get3A_297[%get3A_298, %get3A_299] {strides = array<i32>} : memref<64x256xf32, #tpu.memory_space<vmem>>, vector<1x16xf32>,
        %get3A_301 = vector.shape_cast %get3A_300 : vector<1x16xf32> to vector<16xf32>
        %add3A_302 = arith.addf %scan3A_246, %get3A_301 : vector<16xf32>
        %swap3A_303 = arith.constant 0 : i32
        %swap3A_304 = arith.constant 0 : i32
        %swap3A_305 = tpu.memref_slice %arg5[%scan3A_211, %swap3A_303, %swap3A_304] : memref<2x64x256xf32, #tpu.memory_space<vmem>> -> memref<1x64x256xf32, #tpu.memory_space<vmem>>
        %swap3A_306 = tpu.memref_squeeze %swap3A_305 : memref<1x64x256xf32, #tpu.memory_space<vmem>> -> memref<64x256xf32, #tpu.memory_space<vmem>>
        %swap3A_307 = arith.index_cast %scan3A_243 : i32 to index
        %swap3A_308 = arith.constant 32 : index
        %swap3A_309 = tpu.vector_load %swap3A_306[%swap3A_307, %swap3A_308] {strides = array<i32>} : memref<64x256xf32, #tpu.memory_space<vmem>>, vector<1x16xf32>,
        %swap3A_310 = vector.shape_cast %swap3A_309 : vector<1x16xf32> to vector<16xf32>
        %swap3A_311 = vector.shape_cast %add3A_302 : vector<16xf32> to vector<1x16xf32>
        tpu.vector_store %swap3A_306[%swap3A_307, %swap3A_308], %swap3A_311 {strides = array<i32>} : memref<64x256xf32, #tpu.memory_space<vmem>>, vector<1x16xf32>,
        %get3A_312 = arith.constant 0 : i32
        %get3A_313 = arith.constant 0 : i32
        %get3A_314 = tpu.memref_slice %arg4[%scan3A_210, %get3A_312, %get3A_313] : memref<2x64x256xf32, #tpu.memory_space<vmem>> -> memref<1x64x256xf32, #tpu.memory_space<vmem>>
        %get3A_315 = tpu.memref_squeeze %get3A_314 : memref<1x64x256xf32, #tpu.memory_space<vmem>> -> memref<64x256xf32, #tpu.memory_space<vmem>>
        %get3A_316 = arith.index_cast %scan3A_243 : i32 to index
        %get3A_317 = arith.constant 48 : index
        %get3A_318 = tpu.vector_load %get3A_315[%get3A_316, %get3A_317] {strides = array<i32>} : memref<64x256xf32, #tpu.memory_space<vmem>>, vector<1x16xf32>,
        %get3A_319 = vector.shape_cast %get3A_318 : vector<1x16xf32> to vector<16xf32>
        %add3A_320 = arith.addf %scan3A_247, %get3A_319 : vector<16xf32>
        %swap3A_321 = arith.constant 0 : i32
        %swap3A_322 = arith.constant 0 : i32
        %swap3A_323 = tpu.memref_slice %arg5[%scan3A_211, %swap3A_321, %swap3A_322] : memref<2x64x256xf32, #tpu.memory_space<vmem>> -> memref<1x64x256xf32, #tpu.memory_space<vmem>>
        %swap3A_324 = tpu.memref_squeeze %swap3A_323 : memref<1x64x256xf32, #tpu.memory_space<vmem>> -> memref<64x256xf32, #tpu.memory_space<vmem>>
        %swap3A_325 = arith.index_cast %scan3A_243 : i32 to index
        %swap3A_326 = arith.constant 48 : index
        %swap3A_327 = tpu.vector_load %swap3A_324[%swap3A_325, %swap3A_326] {strides = array<i32>} : memref<64x256xf32, #tpu.memory_space<vmem>>, vector<1x16xf32>,
        %swap3A_328 = vector.shape_cast %swap3A_327 : vector<1x16xf32> to vector<16xf32>
        %swap3A_329 = vector.shape_cast %add3A_320 : vector<16xf32> to vector<1x16xf32>
        tpu.vector_store %swap3A_324[%swap3A_325, %swap3A_326], %swap3A_329 {strides = array<i32>} : memref<64x256xf32, #tpu.memory_space<vmem>>, vector<1x16xf32>,
        %get3A_330 = arith.constant 0 : i32
        %get3A_331 = arith.constant 0 : i32
        %get3A_332 = tpu.memref_slice %arg4[%scan3A_210, %get3A_330, %get3A_331] : memref<2x64x256xf32, #tpu.memory_space<vmem>> -> memref<1x64x256xf32, #tpu.memory_space<vmem>>
        %get3A_333 = tpu.memref_squeeze %get3A_332 : memref<1x64x256xf32, #tpu.memory_space<vmem>> -> memref<64x256xf32, #tpu.memory_space<vmem>>
        %get3A_334 = arith.index_cast %scan3A_243 : i32 to index
        %get3A_335 = arith.constant 64 : index
        %get3A_336 = tpu.vector_load %get3A_333[%get3A_334, %get3A_335] {strides = array<i32>} : memref<64x256xf32, #tpu.memory_space<vmem>>, vector<1x16xf32>,
        %get3A_337 = vector.shape_cast %get3A_336 : vector<1x16xf32> to vector<16xf32>
        %add3A_338 = arith.addf %scan3A_248, %get3A_337 : vector<16xf32>
        %swap3A_339 = arith.constant 0 : i32
        %swap3A_340 = arith.constant 0 : i32
        %swap3A_341 = tpu.memref_slice %arg5[%scan3A_211, %swap3A_339, %swap3A_340] : memref<2x64x256xf32, #tpu.memory_space<vmem>> -> memref<1x64x256xf32, #tpu.memory_space<vmem>>
        %swap3A_342 = tpu.memref_squeeze %swap3A_341 : memref<1x64x256xf32, #tpu.memory_space<vmem>> -> memref<64x256xf32, #tpu.memory_space<vmem>>
        %swap3A_343 = arith.index_cast %scan3A_243 : i32 to index
        %swap3A_344 = arith.constant 64 : index
        %swap3A_345 = tpu.vector_load %swap3A_342[%swap3A_343, %swap3A_344] {strides = array<i32>} : memref<64x256xf32, #tpu.memory_space<vmem>>, vector<1x16xf32>,
        %swap3A_346 = vector.shape_cast %swap3A_345 : vector<1x16xf32> to vector<16xf32>
        %swap3A_347 = vector.shape_cast %add3A_338 : vector<16xf32> to vector<1x16xf32>
        tpu.vector_store %swap3A_342[%swap3A_343, %swap3A_344], %swap3A_347 {strides = array<i32>} : memref<64x256xf32, #tpu.memory_space<vmem>>, vector<1x16xf32>,
        %get3A_348 = arith.constant 0 : i32
        %get3A_349 = arith.constant 0 : i32
        %get3A_350 = tpu.memref_slice %arg4[%scan3A_210, %get3A_348, %get3A_349] : memref<2x64x256xf32, #tpu.memory_space<vmem>> -> memref<1x64x256xf32, #tpu.memory_space<vmem>>
        %get3A_351 = tpu.memref_squeeze %get3A_350 : memref<1x64x256xf32, #tpu.memory_space<vmem>> -> memref<64x256xf32, #tpu.memory_space<vmem>>
        %get3A_352 = arith.index_cast %scan3A_243 : i32 to index
        %get3A_353 = arith.constant 80 : index
        %get3A_354 = tpu.vector_load %get3A_351[%get3A_352, %get3A_353] {strides = array<i32>} : memref<64x256xf32, #tpu.memory_space<vmem>>, vector<1x16xf32>,
        %get3A_355 = vector.shape_cast %get3A_354 : vector<1x16xf32> to vector<16xf32>
        %add3A_356 = arith.addf %scan3A_249, %get3A_355 : vector<16xf32>
        %swap3A_357 = arith.constant 0 : i32
        %swap3A_358 = arith.constant 0 : i32
        %swap3A_359 = tpu.memref_slice %arg5[%scan3A_211, %swap3A_357, %swap3A_358] : memref<2x64x256xf32, #tpu.memory_space<vmem>> -> memref<1x64x256xf32, #tpu.memory_space<vmem>>
        %swap3A_360 = tpu.memref_squeeze %swap3A_359 : memref<1x64x256xf32, #tpu.memory_space<vmem>> -> memref<64x256xf32, #tpu.memory_space<vmem>>
        %swap3A_361 = arith.index_cast %scan3A_243 : i32 to index
        %swap3A_362 = arith.constant 80 : index
        %swap3A_363 = tpu.vector_load %swap3A_360[%swap3A_361, %swap3A_362] {strides = array<i32>} : memref<64x256xf32, #tpu.memory_space<vmem>>, vector<1x16xf32>,
        %swap3A_364 = vector.shape_cast %swap3A_363 : vector<1x16xf32> to vector<16xf32>
        %swap3A_365 = vector.shape_cast %add3A_356 : vector<16xf32> to vector<1x16xf32>
        tpu.vector_store %swap3A_360[%swap3A_361, %swap3A_362], %swap3A_365 {strides = array<i32>} : memref<64x256xf32, #tpu.memory_space<vmem>>, vector<1x16xf32>,
        %get3A_366 = arith.constant 0 : i32
        %get3A_367 = arith.constant 0 : i32
        %get3A_368 = tpu.memref_slice %arg4[%scan3A_210, %get3A_366, %get3A_367] : memref<2x64x256xf32, #tpu.memory_space<vmem>> -> memref<1x64x256xf32, #tpu.memory_space<vmem>>
        %get3A_369 = tpu.memref_squeeze %get3A_368 : memref<1x64x256xf32, #tpu.memory_space<vmem>> -> memref<64x256xf32, #tpu.memory_space<vmem>>
        %get3A_370 = arith.index_cast %scan3A_243 : i32 to index
        %get3A_371 = arith.constant 96 : index
        %get3A_372 = tpu.vector_load %get3A_369[%get3A_370, %get3A_371] {strides = array<i32>} : memref<64x256xf32, #tpu.memory_space<vmem>>, vector<1x16xf32>,
        %get3A_373 = vector.shape_cast %get3A_372 : vector<1x16xf32> to vector<16xf32>
        %add3A_374 = arith.addf %scan3A_250, %get3A_373 : vector<16xf32>
        %swap3A_375 = arith.constant 0 : i32
        %swap3A_376 = arith.constant 0 : i32
        %swap3A_377 = tpu.memref_slice %arg5[%scan3A_211, %swap3A_375, %swap3A_376] : memref<2x64x256xf32, #tpu.memory_space<vmem>> -> memref<1x64x256xf32, #tpu.memory_space<vmem>>
        %swap3A_378 = tpu.memref_squeeze %swap3A_377 : memref<1x64x256xf32, #tpu.memory_space<vmem>> -> memref<64x256xf32, #tpu.memory_space<vmem>>
        %swap3A_379 = arith.index_cast %scan3A_243 : i32 to index
        %swap3A_380 = arith.constant 96 : index
        %swap3A_381 = tpu.vector_load %swap3A_378[%swap3A_379, %swap3A_380] {strides = array<i32>} : memref<64x256xf32, #tpu.memory_space<vmem>>, vector<1x16xf32>,
        %swap3A_382 = vector.shape_cast %swap3A_381 : vector<1x16xf32> to vector<16xf32>
        %swap3A_383 = vector.shape_cast %add3A_374 : vector<16xf32> to vector<1x16xf32>
        tpu.vector_store %swap3A_378[%swap3A_379, %swap3A_380], %swap3A_383 {strides = array<i32>} : memref<64x256xf32, #tpu.memory_space<vmem>>, vector<1x16xf32>,
        %get3A_384 = arith.constant 0 : i32
        %get3A_385 = arith.constant 0 : i32
        %get3A_386 = tpu.memref_slice %arg4[%scan3A_210, %get3A_384, %get3A_385] : memref<2x64x256xf32, #tpu.memory_space<vmem>> -> memref<1x64x256xf32, #tpu.memory_space<vmem>>
        %get3A_387 = tpu.memref_squeeze %get3A_386 : memref<1x64x256xf32, #tpu.memory_space<vmem>> -> memref<64x256xf32, #tpu.memory_space<vmem>>
        %get3A_388 = arith.index_cast %scan3A_243 : i32 to index
        %get3A_389 = arith.constant 112 : index
        %get3A_390 = tpu.vector_load %get3A_387[%get3A_388, %get3A_389] {strides = array<i32>} : memref<64x256xf32, #tpu.memory_space<vmem>>, vector<1x16xf32>,
        %get3A_391 = vector.shape_cast %get3A_390 : vector<1x16xf32> to vector<16xf32>
        %add3A_392 = arith.addf %scan3A_251, %get3A_391 : vector<16xf32>
        %swap3A_393 = arith.constant 0 : i32
        %swap3A_394 = arith.constant 0 : i32
        %swap3A_395 = tpu.memref_slice %arg5[%scan3A_211, %swap3A_393, %swap3A_394] : memref<2x64x256xf32, #tpu.memory_space<vmem>> -> memref<1x64x256xf32, #tpu.memory_space<vmem>>
        %swap3A_396 = tpu.memref_squeeze %swap3A_395 : memref<1x64x256xf32, #tpu.memory_space<vmem>> -> memref<64x256xf32, #tpu.memory_space<vmem>>
        %swap3A_397 = arith.index_cast %scan3A_243 : i32 to index
        %swap3A_398 = arith.constant 112 : index
        %swap3A_399 = tpu.vector_load %swap3A_396[%swap3A_397, %swap3A_398] {strides = array<i32>} : memref<64x256xf32, #tpu.memory_space<vmem>>, vector<1x16xf32>,
        %swap3A_400 = vector.shape_cast %swap3A_399 : vector<1x16xf32> to vector<16xf32>
        %swap3A_401 = vector.shape_cast %add3A_392 : vector<16xf32> to vector<1x16xf32>
        tpu.vector_store %swap3A_396[%swap3A_397, %swap3A_398], %swap3A_401 {strides = array<i32>} : memref<64x256xf32, #tpu.memory_space<vmem>>, vector<1x16xf32>,
        %get3A_402 = arith.constant 0 : i32
        %get3A_403 = arith.constant 0 : i32
        %get3A_404 = tpu.memref_slice %arg4[%scan3A_210, %get3A_402, %get3A_403] : memref<2x64x256xf32, #tpu.memory_space<vmem>> -> memref<1x64x256xf32, #tpu.memory_space<vmem>>
        %get3A_405 = tpu.memref_squeeze %get3A_404 : memref<1x64x256xf32, #tpu.memory_space<vmem>> -> memref<64x256xf32, #tpu.memory_space<vmem>>
        %get3A_406 = arith.index_cast %scan3A_243 : i32 to index
        %get3A_407 = arith.constant 128 : index
        %get3A_408 = tpu.vector_load %get3A_405[%get3A_406, %get3A_407] {strides = array<i32>} : memref<64x256xf32, #tpu.memory_space<vmem>>, vector<1x16xf32>,
        %get3A_409 = vector.shape_cast %get3A_408 : vector<1x16xf32> to vector<16xf32>
        %add3A_410 = arith.addf %scan3A_252, %get3A_409 : vector<16xf32>
        %swap3A_411 = arith.constant 0 : i32
        %swap3A_412 = arith.constant 0 : i32
        %swap3A_413 = tpu.memref_slice %arg5[%scan3A_211, %swap3A_411, %swap3A_412] : memref<2x64x256xf32, #tpu.memory_space<vmem>> -> memref<1x64x256xf32, #tpu.memory_space<vmem>>
        %swap3A_414 = tpu.memref_squeeze %swap3A_413 : memref<1x64x256xf32, #tpu.memory_space<vmem>> -> memref<64x256xf32, #tpu.memory_space<vmem>>
        %swap3A_415 = arith.index_cast %scan3A_243 : i32 to index
        %swap3A_416 = arith.constant 128 : index
        %swap3A_417 = tpu.vector_load %swap3A_414[%swap3A_415, %swap3A_416] {strides = array<i32>} : memref<64x256xf32, #tpu.memory_space<vmem>>, vector<1x16xf32>,
        %swap3A_418 = vector.shape_cast %swap3A_417 : vector<1x16xf32> to vector<16xf32>
        %swap3A_419 = vector.shape_cast %add3A_410 : vector<16xf32> to vector<1x16xf32>
        tpu.vector_store %swap3A_414[%swap3A_415, %swap3A_416], %swap3A_419 {strides = array<i32>} : memref<64x256xf32, #tpu.memory_space<vmem>>, vector<1x16xf32>,
        %get3A_420 = arith.constant 0 : i32
        %get3A_421 = arith.constant 0 : i32
        %get3A_422 = tpu.memref_slice %arg4[%scan3A_210, %get3A_420, %get3A_421] : memref<2x64x256xf32, #tpu.memory_space<vmem>> -> memref<1x64x256xf32, #tpu.memory_space<vmem>>
        %get3A_423 = tpu.memref_squeeze %get3A_422 : memref<1x64x256xf32, #tpu.memory_space<vmem>> -> memref<64x256xf32, #tpu.memory_space<vmem>>
        %get3A_424 = arith.index_cast %scan3A_243 : i32 to index
        %get3A_425 = arith.constant 144 : index
        %get3A_426 = tpu.vector_load %get3A_423[%get3A_424, %get3A_425] {strides = array<i32>} : memref<64x256xf32, #tpu.memory_space<vmem>>, vector<1x16xf32>,
        %get3A_427 = vector.shape_cast %get3A_426 : vector<1x16xf32> to vector<16xf32>
        %add3A_428 = arith.addf %scan3A_253, %get3A_427 : vector<16xf32>
        %swap3A_429 = arith.constant 0 : i32
        %swap3A_430 = arith.constant 0 : i32
        %swap3A_431 = tpu.memref_slice %arg5[%scan3A_211, %swap3A_429, %swap3A_430] : memref<2x64x256xf32, #tpu.memory_space<vmem>> -> memref<1x64x256xf32, #tpu.memory_space<vmem>>
        %swap3A_432 = tpu.memref_squeeze %swap3A_431 : memref<1x64x256xf32, #tpu.memory_space<vmem>> -> memref<64x256xf32, #tpu.memory_space<vmem>>
        %swap3A_433 = arith.index_cast %scan3A_243 : i32 to index
        %swap3A_434 = arith.constant 144 : index
        %swap3A_435 = tpu.vector_load %swap3A_432[%swap3A_433, %swap3A_434] {strides = array<i32>} : memref<64x256xf32, #tpu.memory_space<vmem>>, vector<1x16xf32>,
        %swap3A_436 = vector.shape_cast %swap3A_435 : vector<1x16xf32> to vector<16xf32>
        %swap3A_437 = vector.shape_cast %add3A_428 : vector<16xf32> to vector<1x16xf32>
        tpu.vector_store %swap3A_432[%swap3A_433, %swap3A_434], %swap3A_437 {strides = array<i32>} : memref<64x256xf32, #tpu.memory_space<vmem>>, vector<1x16xf32>,
        %get3A_438 = arith.constant 0 : i32
        %get3A_439 = arith.constant 0 : i32
        %get3A_440 = tpu.memref_slice %arg4[%scan3A_210, %get3A_438, %get3A_439] : memref<2x64x256xf32, #tpu.memory_space<vmem>> -> memref<1x64x256xf32, #tpu.memory_space<vmem>>
        %get3A_441 = tpu.memref_squeeze %get3A_440 : memref<1x64x256xf32, #tpu.memory_space<vmem>> -> memref<64x256xf32, #tpu.memory_space<vmem>>
        %get3A_442 = arith.index_cast %scan3A_243 : i32 to index
        %get3A_443 = arith.constant 160 : index
        %get3A_444 = tpu.vector_load %get3A_441[%get3A_442, %get3A_443] {strides = array<i32>} : memref<64x256xf32, #tpu.memory_space<vmem>>, vector<1x16xf32>,
        %get3A_445 = vector.shape_cast %get3A_444 : vector<1x16xf32> to vector<16xf32>
        %add3A_446 = arith.addf %scan3A_254, %get3A_445 : vector<16xf32>
        %swap3A_447 = arith.constant 0 : i32
        %swap3A_448 = arith.constant 0 : i32
        %swap3A_449 = tpu.memref_slice %arg5[%scan3A_211, %swap3A_447, %swap3A_448] : memref<2x64x256xf32, #tpu.memory_space<vmem>> -> memref<1x64x256xf32, #tpu.memory_space<vmem>>
        %swap3A_450 = tpu.memref_squeeze %swap3A_449 : memref<1x64x256xf32, #tpu.memory_space<vmem>> -> memref<64x256xf32, #tpu.memory_space<vmem>>
        %swap3A_451 = arith.index_cast %scan3A_243 : i32 to index
        %swap3A_452 = arith.constant 160 : index
        %swap3A_453 = tpu.vector_load %swap3A_450[%swap3A_451, %swap3A_452] {strides = array<i32>} : memref<64x256xf32, #tpu.memory_space<vmem>>, vector<1x16xf32>,
        %swap3A_454 = vector.shape_cast %swap3A_453 : vector<1x16xf32> to vector<16xf32>
        %swap3A_455 = vector.shape_cast %add3A_446 : vector<16xf32> to vector<1x16xf32>
        tpu.vector_store %swap3A_450[%swap3A_451, %swap3A_452], %swap3A_455 {strides = array<i32>} : memref<64x256xf32, #tpu.memory_space<vmem>>, vector<1x16xf32>,
        %get3A_456 = arith.constant 0 : i32
        %get3A_457 = arith.constant 0 : i32
        %get3A_458 = tpu.memref_slice %arg4[%scan3A_210, %get3A_456, %get3A_457] : memref<2x64x256xf32, #tpu.memory_space<vmem>> -> memref<1x64x256xf32, #tpu.memory_space<vmem>>
        %get3A_459 = tpu.memref_squeeze %get3A_458 : memref<1x64x256xf32, #tpu.memory_space<vmem>> -> memref<64x256xf32, #tpu.memory_space<vmem>>
        %get3A_460 = arith.index_cast %scan3A_243 : i32 to index
        %get3A_461 = arith.constant 176 : index
        %get3A_462 = tpu.vector_load %get3A_459[%get3A_460, %get3A_461] {strides = array<i32>} : memref<64x256xf32, #tpu.memory_space<vmem>>, vector<1x16xf32>,
        %get3A_463 = vector.shape_cast %get3A_462 : vector<1x16xf32> to vector<16xf32>
        %add3A_464 = arith.addf %scan3A_255, %get3A_463 : vector<16xf32>
        %swap3A_465 = arith.constant 0 : i32
        %swap3A_466 = arith.constant 0 : i32
        %swap3A_467 = tpu.memref_slice %arg5[%scan3A_211, %swap3A_465, %swap3A_466] : memref<2x64x256xf32, #tpu.memory_space<vmem>> -> memref<1x64x256xf32, #tpu.memory_space<vmem>>
        %swap3A_468 = tpu.memref_squeeze %swap3A_467 : memref<1x64x256xf32, #tpu.memory_space<vmem>> -> memref<64x256xf32, #tpu.memory_space<vmem>>
        %swap3A_469 = arith.index_cast %scan3A_243 : i32 to index
        %swap3A_470 = arith.constant 176 : index
        %swap3A_471 = tpu.vector_load %swap3A_468[%swap3A_469, %swap3A_470] {strides = array<i32>} : memref<64x256xf32, #tpu.memory_space<vmem>>, vector<1x16xf32>,
        %swap3A_472 = vector.shape_cast %swap3A_471 : vector<1x16xf32> to vector<16xf32>
        %swap3A_473 = vector.shape_cast %add3A_464 : vector<16xf32> to vector<1x16xf32>
        tpu.vector_store %swap3A_468[%swap3A_469, %swap3A_470], %swap3A_473 {strides = array<i32>} : memref<64x256xf32, #tpu.memory_space<vmem>>, vector<1x16xf32>,
        %get3A_474 = arith.constant 0 : i32
        %get3A_475 = arith.constant 0 : i32
        %get3A_476 = tpu.memref_slice %arg4[%scan3A_210, %get3A_474, %get3A_475] : memref<2x64x256xf32, #tpu.memory_space<vmem>> -> memref<1x64x256xf32, #tpu.memory_space<vmem>>
        %get3A_477 = tpu.memref_squeeze %get3A_476 : memref<1x64x256xf32, #tpu.memory_space<vmem>> -> memref<64x256xf32, #tpu.memory_space<vmem>>
        %get3A_478 = arith.index_cast %scan3A_243 : i32 to index
        %get3A_479 = arith.constant 192 : index
        %get3A_480 = tpu.vector_load %get3A_477[%get3A_478, %get3A_479] {strides = array<i32>} : memref<64x256xf32, #tpu.memory_space<vmem>>, vector<1x16xf32>,
        %get3A_481 = vector.shape_cast %get3A_480 : vector<1x16xf32> to vector<16xf32>
        %add3A_482 = arith.addf %scan3A_256, %get3A_481 : vector<16xf32>
        %swap3A_483 = arith.constant 0 : i32
        %swap3A_484 = arith.constant 0 : i32
        %swap3A_485 = tpu.memref_slice %arg5[%scan3A_211, %swap3A_483, %swap3A_484] : memref<2x64x256xf32, #tpu.memory_space<vmem>> -> memref<1x64x256xf32, #tpu.memory_space<vmem>>
        %swap3A_486 = tpu.memref_squeeze %swap3A_485 : memref<1x64x256xf32, #tpu.memory_space<vmem>> -> memref<64x256xf32, #tpu.memory_space<vmem>>
        %swap3A_487 = arith.index_cast %scan3A_243 : i32 to index
        %swap3A_488 = arith.constant 192 : index
        %swap3A_489 = tpu.vector_load %swap3A_486[%swap3A_487, %swap3A_488] {strides = array<i32>} : memref<64x256xf32, #tpu.memory_space<vmem>>, vector<1x16xf32>,
        %swap3A_490 = vector.shape_cast %swap3A_489 : vector<1x16xf32> to vector<16xf32>
        %swap3A_491 = vector.shape_cast %add3A_482 : vector<16xf32> to vector<1x16xf32>
        tpu.vector_store %swap3A_486[%swap3A_487, %swap3A_488], %swap3A_491 {strides = array<i32>} : memref<64x256xf32, #tpu.memory_space<vmem>>, vector<1x16xf32>,
        %get3A_492 = arith.constant 0 : i32
        %get3A_493 = arith.constant 0 : i32
        %get3A_494 = tpu.memref_slice %arg4[%scan3A_210, %get3A_492, %get3A_493] : memref<2x64x256xf32, #tpu.memory_space<vmem>> -> memref<1x64x256xf32, #tpu.memory_space<vmem>>
        %get3A_495 = tpu.memref_squeeze %get3A_494 : memref<1x64x256xf32, #tpu.memory_space<vmem>> -> memref<64x256xf32, #tpu.memory_space<vmem>>
        %get3A_496 = arith.index_cast %scan3A_243 : i32 to index
        %get3A_497 = arith.constant 208 : index
        %get3A_498 = tpu.vector_load %get3A_495[%get3A_496, %get3A_497] {strides = array<i32>} : memref<64x256xf32, #tpu.memory_space<vmem>>, vector<1x16xf32>,
        %get3A_499 = vector.shape_cast %get3A_498 : vector<1x16xf32> to vector<16xf32>
        %add3A_500 = arith.addf %scan3A_257, %get3A_499 : vector<16xf32>
        %swap3A_501 = arith.constant 0 : i32
        %swap3A_502 = arith.constant 0 : i32
        %swap3A_503 = tpu.memref_slice %arg5[%scan3A_211, %swap3A_501, %swap3A_502] : memref<2x64x256xf32, #tpu.memory_space<vmem>> -> memref<1x64x256xf32, #tpu.memory_space<vmem>>
        %swap3A_504 = tpu.memref_squeeze %swap3A_503 : memref<1x64x256xf32, #tpu.memory_space<vmem>> -> memref<64x256xf32, #tpu.memory_space<vmem>>
        %swap3A_505 = arith.index_cast %scan3A_243 : i32 to index
        %swap3A_506 = arith.constant 208 : index
        %swap3A_507 = tpu.vector_load %swap3A_504[%swap3A_505, %swap3A_506] {strides = array<i32>} : memref<64x256xf32, #tpu.memory_space<vmem>>, vector<1x16xf32>,
        %swap3A_508 = vector.shape_cast %swap3A_507 : vector<1x16xf32> to vector<16xf32>
        %swap3A_509 = vector.shape_cast %add3A_500 : vector<16xf32> to vector<1x16xf32>
        tpu.vector_store %swap3A_504[%swap3A_505, %swap3A_506], %swap3A_509 {strides = array<i32>} : memref<64x256xf32, #tpu.memory_space<vmem>>, vector<1x16xf32>,
        %get3A_510 = arith.constant 0 : i32
        %get3A_511 = arith.constant 0 : i32
        %get3A_512 = tpu.memref_slice %arg4[%scan3A_210, %get3A_510, %get3A_511] : memref<2x64x256xf32, #tpu.memory_space<vmem>> -> memref<1x64x256xf32, #tpu.memory_space<vmem>>
        %get3A_513 = tpu.memref_squeeze %get3A_512 : memref<1x64x256xf32, #tpu.memory_space<vmem>> -> memref<64x256xf32, #tpu.memory_space<vmem>>
        %get3A_514 = arith.index_cast %scan3A_243 : i32 to index
        %get3A_515 = arith.constant 224 : index
        %get3A_516 = tpu.vector_load %get3A_513[%get3A_514, %get3A_515] {strides = array<i32>} : memref<64x256xf32, #tpu.memory_space<vmem>>, vector<1x16xf32>,
        %get3A_517 = vector.shape_cast %get3A_516 : vector<1x16xf32> to vector<16xf32>
        %add3A_518 = arith.addf %scan3A_258, %get3A_517 : vector<16xf32>
        %swap3A_519 = arith.constant 0 : i32
        %swap3A_520 = arith.constant 0 : i32
        %swap3A_521 = tpu.memref_slice %arg5[%scan3A_211, %swap3A_519, %swap3A_520] : memref<2x64x256xf32, #tpu.memory_space<vmem>> -> memref<1x64x256xf32, #tpu.memory_space<vmem>>
        %swap3A_522 = tpu.memref_squeeze %swap3A_521 : memref<1x64x256xf32, #tpu.memory_space<vmem>> -> memref<64x256xf32, #tpu.memory_space<vmem>>
        %swap3A_523 = arith.index_cast %scan3A_243 : i32 to index
        %swap3A_524 = arith.constant 224 : index
        %swap3A_525 = tpu.vector_load %swap3A_522[%swap3A_523, %swap3A_524] {strides = array<i32>} : memref<64x256xf32, #tpu.memory_space<vmem>>, vector<1x16xf32>,
        %swap3A_526 = vector.shape_cast %swap3A_525 : vector<1x16xf32> to vector<16xf32>
        %swap3A_527 = vector.shape_cast %add3A_518 : vector<16xf32> to vector<1x16xf32>
        tpu.vector_store %swap3A_522[%swap3A_523, %swap3A_524], %swap3A_527 {strides = array<i32>} : memref<64x256xf32, #tpu.memory_space<vmem>>, vector<1x16xf32>,
        %get3A_528 = arith.constant 0 : i32
        %get3A_529 = arith.constant 0 : i32
        %get3A_530 = tpu.memref_slice %arg4[%scan3A_210, %get3A_528, %get3A_529] : memref<2x64x256xf32, #tpu.memory_space<vmem>> -> memref<1x64x256xf32, #tpu.memory_space<vmem>>
        %get3A_531 = tpu.memref_squeeze %get3A_530 : memref<1x64x256xf32, #tpu.memory_space<vmem>> -> memref<64x256xf32, #tpu.memory_space<vmem>>
        %get3A_532 = arith.index_cast %scan3A_243 : i32 to index
        %get3A_533 = arith.constant 240 : index
        %get3A_534 = tpu.vector_load %get3A_531[%get3A_532, %get3A_533] {strides = array<i32>} : memref<64x256xf32, #tpu.memory_space<vmem>>, vector<1x16xf32>,
        %get3A_535 = vector.shape_cast %get3A_534 : vector<1x16xf32> to vector<16xf32>
        %add3A_536 = arith.addf %scan3A_259, %get3A_535 : vector<16xf32>
        %swap3A_537 = arith.constant 0 : i32
        %swap3A_538 = arith.constant 0 : i32
        %swap3A_539 = tpu.memref_slice %arg5[%scan3A_211, %swap3A_537, %swap3A_538] : memref<2x64x256xf32, #tpu.memory_space<vmem>> -> memref<1x64x256xf32, #tpu.memory_space<vmem>>
        %swap3A_540 = tpu.memref_squeeze %swap3A_539 : memref<1x64x256xf32, #tpu.memory_space<vmem>> -> memref<64x256xf32, #tpu.memory_space<vmem>>
        %swap3A_541 = arith.index_cast %scan3A_243 : i32 to index
        %swap3A_542 = arith.constant 240 : index
        %swap3A_543 = tpu.vector_load %swap3A_540[%swap3A_541, %swap3A_542] {strides = array<i32>} : memref<64x256xf32, #tpu.memory_space<vmem>>, vector<1x16xf32>,
        %swap3A_544 = vector.shape_cast %swap3A_543 : vector<1x16xf32> to vector<16xf32>
        %swap3A_545 = vector.shape_cast %add3A_536 : vector<16xf32> to vector<1x16xf32>
        tpu.vector_store %swap3A_540[%swap3A_541, %swap3A_542], %swap3A_545 {strides = array<i32>} : memref<64x256xf32, #tpu.memory_space<vmem>>, vector<1x16xf32>,
        scf.yield %add3A_267, %add3A_284, %add3A_302, %add3A_320, %add3A_338, %add3A_356, %add3A_374, %add3A_392, %add3A_410, %add3A_428, %add3A_446, %add3A_464, %add3A_482, %add3A_500, %add3A_518, %add3A_536 : vector<16xf32>, vector<16xf32>, vector<16xf32>, vector<16xf32>, vector<16xf32>, vector<16xf32>, vector<16xf32>, vector<16xf32>, vector<16xf32>, vector<16xf32>, vector<16xf32>, vector<16xf32>, vector<16xf32>, vector<16xf32>, vector<16xf32>, vector<16xf32>
      }
      %scan3A_217 = arith.constant 64 : i32
      %add3A_218 = arith.constant 2 : i32
      %add3A_219 = arith.addi %add3A_186, %add3A_218 : i32
      %lt3A_220 = arith.constant 64 : i32
      %lt3A_221 = arith.cmpi slt, %add3A_219, %lt3A_220 : i32
      %convert_element_type3A_222 = arith.extui %lt3A_221 : i1 to i32
      %cond3A_223 = arith.constant 0 : i32
      %cond3A_224 = arith.cmpi ne, %convert_element_type3A_222, %cond3A_223 : i32
      scf.if %cond3A_224 {
        %add3A_243 = arith.constant 2 : i32
        %add3A_244 = arith.addi %add3A_186, %add3A_243 : i32
        %mul3A_245 = arith.constant 64 : i32
        %mul3A_246 = arith.muli %add3A_244, %mul3A_245 : i32
        %dma_start3A_247 = arith.constant 1 : i32
        %dma_start3A_248 = arith.constant 1 : i32
        %dma_start3A_249 = arith.constant 0 : i32
        %dma_start3A_250 = arith.constant 0 : i32
        %dma_start3A_251 = tpu.memref_slice %arg4[%dma_start3A_247, %dma_start3A_249, %dma_start3A_250] : memref<2x64x256xf32, #tpu.memory_space<vmem>> -> memref<1x64x256xf32, #tpu.memory_space<vmem>>
        %dma_start3A_252 = tpu.memref_squeeze %dma_start3A_251 : memref<1x64x256xf32, #tpu.memory_space<vmem>> -> memref<64x256xf32, #tpu.memory_space<vmem>>
        %dma_start3A_253 = tpu.memref_slice %arg2[%select_n3A, %mul3A_246, %mul3A_32] : memref<4x4096x2048xf32, #tpu.memory_space<hbm>> -> memref<1x64x256xf32, #tpu.memory_space<hbm>>
        %dma_start3A_254 = tpu.memref_squeeze %dma_start3A_253 : memref<1x64x256xf32, #tpu.memory_space<hbm>> -> memref<64x256xf32, #tpu.memory_space<hbm>>
        %dma_start3A_255 = tpu.memref_slice %arg6[%dma_start3A_248] : memref<2x!tpu.dma_semaphore, #tpu.memory_space<semaphore_mem>> -> memref<1x!tpu.dma_semaphore, #tpu.memory_space<semaphore_mem>>
        %dma_start3A_256 = tpu.memref_squeeze %dma_start3A_255 : memref<1x!tpu.dma_semaphore, #tpu.memory_space<semaphore_mem>> -> memref<!tpu.dma_semaphore, #tpu.memory_space<semaphore_mem>>
        %dma_start3A_257 = arith.constant 0 : i32
        %dma_start3A_258 = arith.constant 0 : i32
        %dma_start3A_259 = tpu.memref_slice %arg4[%dma_start3A_247, %dma_start3A_257, %dma_start3A_258] : memref<2x64x256xf32, #tpu.memory_space<vmem>> -> memref<1x64x256xf32, #tpu.memory_space<vmem>>
        %dma_start3A_260 = tpu.memref_squeeze %dma_start3A_259 : memref<1x64x256xf32, #tpu.memory_space<vmem>> -> memref<64x256xf32, #tpu.memory_space<vmem>>
        %dma_start3A_261 = tpu.memref_slice %arg2[%select_n3A, %mul3A_246, %mul3A_32] : memref<4x4096x2048xf32, #tpu.memory_space<hbm>> -> memref<1x64x256xf32, #tpu.memory_space<hbm>>
        %dma_start3A_262 = tpu.memref_squeeze %dma_start3A_261 : memref<1x64x256xf32, #tpu.memory_space<hbm>> -> memref<64x256xf32, #tpu.memory_space<hbm>>
        tpu.enqueue_dma source(%dma_start3A_262 : memref<64x256xf32, #tpu.memory_space<hbm>>) target(%dma_start3A_260 : memref<64x256xf32, #tpu.memory_space<vmem>>) target_semaphore(%dma_start3A_256 : memref<!tpu.dma_semaphore, #tpu.memory_space<semaphore_mem>>)
      } else {
      }
      %mul3A_225 = arith.constant 64 : i32
      %mul3A_226 = arith.muli %add3A_186, %mul3A_225 : i32
      %dma_start3A_227 = arith.constant 1 : i32
      %dma_start3A_228 = arith.constant 1 : i32
      %dma_start3A_229 = arith.constant 0 : i32
      %dma_start3A_230 = arith.constant 0 : i32
      %dma_start3A_231 = tpu.memref_slice %arg5[%dma_start3A_227, %dma_start3A_229, %dma_start3A_230] : memref<2x64x256xf32, #tpu.memory_space<vmem>> -> memref<1x64x256xf32, #tpu.memory_space<vmem>>
      %dma_start3A_232 = tpu.memref_squeeze %dma_start3A_231 : memref<1x64x256xf32, #tpu.memory_space<vmem>> -> memref<64x256xf32, #tpu.memory_space<vmem>>
      %dma_start3A_233 = tpu.memref_slice %arg3[%select_n3A, %mul3A_226, %mul3A_32] : memref<4x4096x2048xf32, #tpu.memory_space<hbm>> -> memref<1x64x256xf32, #tpu.memory_space<hbm>>
      %dma_start3A_234 = tpu.memref_squeeze %dma_start3A_233 : memref<1x64x256xf32, #tpu.memory_space<hbm>> -> memref<64x256xf32, #tpu.memory_space<hbm>>
      %dma_start3A_235 = tpu.memref_slice %arg7[%dma_start3A_228] : memref<2x!tpu.dma_semaphore, #tpu.memory_space<semaphore_mem>> -> memref<1x!tpu.dma_semaphore, #tpu.memory_space<semaphore_mem>>
      %dma_start3A_236 = tpu.memref_squeeze %dma_start3A_235 : memref<1x!tpu.dma_semaphore, #tpu.memory_space<semaphore_mem>> -> memref<!tpu.dma_semaphore, #tpu.memory_space<semaphore_mem>>
      %dma_start3A_237 = tpu.memref_slice %arg3[%select_n3A, %mul3A_226, %mul3A_32] : memref<4x4096x2048xf32, #tpu.memory_space<hbm>> -> memref<1x64x256xf32, #tpu.memory_space<hbm>>
      %dma_start3A_238 = tpu.memref_squeeze %dma_start3A_237 : memref<1x64x256xf32, #tpu.memory_space<hbm>> -> memref<64x256xf32, #tpu.memory_space<hbm>>
      %dma_start3A_239 = arith.constant 0 : i32
      %dma_start3A_240 = arith.constant 0 : i32
      %dma_start3A_241 = tpu.memref_slice %arg5[%dma_start3A_227, %dma_start3A_239, %dma_start3A_240] : memref<2x64x256xf32, #tpu.memory_space<vmem>> -> memref<1x64x256xf32, #tpu.memory_space<vmem>>
      %dma_start3A_242 = tpu.memref_squeeze %dma_start3A_241 : memref<1x64x256xf32, #tpu.memory_space<vmem>> -> memref<64x256xf32, #tpu.memory_space<vmem>>
      tpu.enqueue_dma source(%dma_start3A_242 : memref<64x256xf32, #tpu.memory_space<vmem>>) target(%dma_start3A_238 : memref<64x256xf32, #tpu.memory_space<hbm>>) target_semaphore(%dma_start3A_236 : memref<!tpu.dma_semaphore, #tpu.memory_space<semaphore_mem>>)
      scf.yield %scan3A_216#0, %scan3A_216#1, %scan3A_216#2, %scan3A_216#3, %scan3A_216#4, %scan3A_216#5, %scan3A_216#6, %scan3A_216#7, %scan3A_216#8, %scan3A_216#9, %scan3A_216#10, %scan3A_216#11, %scan3A_216#12, %scan3A_216#13, %scan3A_216#14, %scan3A_216#15 : vector<16xf32>, vector<16xf32>, vector<16xf32>, vector<16xf32>, vector<16xf32>, vector<16xf32>, vector<16xf32>, vector<16xf32>, vector<16xf32>, vector<16xf32>, vector<16xf32>, vector<16xf32>, vector<16xf32>, vector<16xf32>, vector<16xf32>, vector<16xf32>
    }
    %scan3A_73 = arith.constant 32 : i32
    %dma_wait3A = arith.constant 0 : i32
    %dma_wait3A_74 = arith.constant 0 : i32
    %dma_wait3A_75 = arith.constant 0 : i32
    %dma_wait3A_76 = arith.constant 0 : i32
    %dma_wait3A_77 = tpu.memref_slice %arg5[%dma_wait3A, %dma_wait3A_75, %dma_wait3A_76] : memref<2x64x256xf32, #tpu.memory_space<vmem>> -> memref<1x64x256xf32, #tpu.memory_space<vmem>>
    %dma_wait3A_78 = tpu.memref_squeeze %dma_wait3A_77 : memref<1x64x256xf32, #tpu.memory_space<vmem>> -> memref<64x256xf32, #tpu.memory_space<vmem>>
    %dma_wait3A_79 = arith.constant 3968 : i32
    %dma_wait3A_80 = tpu.memref_slice %arg3[%select_n3A, %dma_wait3A_79, %mul3A_32] : memref<4x4096x2048xf32, #tpu.memory_space<hbm>> -> memref<1x64x256xf32, #tpu.memory_space<hbm>>
    %dma_wait3A_81 = tpu.memref_squeeze %dma_wait3A_80 : memref<1x64x256xf32, #tpu.memory_space<hbm>> -> memref<64x256xf32, #tpu.memory_space<hbm>>
    %dma_wait3A_82 = tpu.memref_slice %arg7[%dma_wait3A_74] : memref<2x!tpu.dma_semaphore, #tpu.memory_space<semaphore_mem>> -> memref<1x!tpu.dma_semaphore, #tpu.memory_space<semaphore_mem>>
    %dma_wait3A_83 = tpu.memref_squeeze %dma_wait3A_82 : memref<1x!tpu.dma_semaphore, #tpu.memory_space<semaphore_mem>> -> memref<!tpu.dma_semaphore, #tpu.memory_space<semaphore_mem>>
    %dma_wait3A_84 = arith.constant 3968 : i32
    %dma_wait3A_85 = tpu.memref_slice %arg3[%select_n3A, %dma_wait3A_84, %mul3A_32] : memref<4x4096x2048xf32, #tpu.memory_space<hbm>> -> memref<1x64x256xf32, #tpu.memory_space<hbm>>
    %dma_wait3A_86 = tpu.memref_squeeze %dma_wait3A_85 : memref<1x64x256xf32, #tpu.memory_space<hbm>> -> memref<64x256xf32, #tpu.memory_space<hbm>>
    %dma_wait3A_87 = arith.constant 0 : i32
    %dma_wait3A_88 = arith.constant 0 : i32
    %dma_wait3A_89 = tpu.memref_slice %arg5[%dma_wait3A, %dma_wait3A_87, %dma_wait3A_88] : memref<2x64x256xf32, #tpu.memory_space<vmem>> -> memref<1x64x256xf32, #tpu.memory_space<vmem>>
    %dma_wait3A_90 = tpu.memref_squeeze %dma_wait3A_89 : memref<1x64x256xf32, #tpu.memory_space<vmem>> -> memref<64x256xf32, #tpu.memory_space<vmem>>
    tpu.wait_dma2 semaphore(%dma_wait3A_83 : memref<!tpu.dma_semaphore, #tpu.memory_space<semaphore_mem>>) src(%dma_wait3A_90 : memref<64x256xf32, #tpu.memory_space<vmem>>) dst(%dma_wait3A_86 : memref<64x256xf32, #tpu.memory_space<hbm>>)
    %dma_wait3A_91 = arith.constant 1 : i32
    %dma_wait3A_92 = arith.constant 1 : i32
    %dma_wait3A_93 = arith.constant 0 : i32
    %dma_wait3A_94 = arith.constant 0 : i32
    %dma_wait3A_95 = tpu.memref_slice %arg5[%dma_wait3A_91, %dma_wait3A_93, %dma_wait3A_94] : memref<2x64x256xf32, #tpu.memory_space<vmem>> -> memref<1x64x256xf32, #tpu.memory_space<vmem>>
    %dma_wait3A_96 = tpu.memref_squeeze %dma_wait3A_95 : memref<1x64x256xf32, #tpu.memory_space<vmem>> -> memref<64x256xf32, #tpu.memory_space<vmem>>
    %dma_wait3A_97 = arith.constant 4032 : i32
    %dma_wait3A_98 = tpu.memref_slice %arg3[%select_n3A, %dma_wait3A_97, %mul3A_32] : memref<4x4096x2048xf32, #tpu.memory_space<hbm>> -> memref<1x64x256xf32, #tpu.memory_space<hbm>>
    %dma_wait3A_99 = tpu.memref_squeeze %dma_wait3A_98 : memref<1x64x256xf32, #tpu.memory_space<hbm>> -> memref<64x256xf32, #tpu.memory_space<hbm>>
    %dma_wait3A_100 = tpu.memref_slice %arg7[%dma_wait3A_92] : memref<2x!tpu.dma_semaphore, #tpu.memory_space<semaphore_mem>> -> memref<1x!tpu.dma_semaphore, #tpu.memory_space<semaphore_mem>>
    %dma_wait3A_101 = tpu.memref_squeeze %dma_wait3A_100 : memref<1x!tpu.dma_semaphore, #tpu.memory_space<semaphore_mem>> -> memref<!tpu.dma_semaphore, #tpu.memory_space<semaphore_mem>>
    %dma_wait3A_102 = arith.constant 4032 : i32
    %dma_wait3A_103 = tpu.memref_slice %arg3[%select_n3A, %dma_wait3A_102, %mul3A_32] : memref<4x4096x2048xf32, #tpu.memory_space<hbm>> -> memref<1x64x256xf32, #tpu.memory_space<hbm>>
    %dma_wait3A_104 = tpu.memref_squeeze %dma_wait3A_103 : memref<1x64x256xf32, #tpu.memory_space<hbm>> -> memref<64x256xf32, #tpu.memory_space<hbm>>
    %dma_wait3A_105 = arith.constant 0 : i32
    %dma_wait3A_106 = arith.constant 0 : i32
    %dma_wait3A_107 = tpu.memref_slice %arg5[%dma_wait3A_91, %dma_wait3A_105, %dma_wait3A_106] : memref<2x64x256xf32, #tpu.memory_space<vmem>> -> memref<1x64x256xf32, #tpu.memory_space<vmem>>
    %dma_wait3A_108 = tpu.memref_squeeze %dma_wait3A_107 : memref<1x64x256xf32, #tpu.memory_space<vmem>> -> memref<64x256xf32, #tpu.memory_space<vmem>>
    tpu.wait_dma2 semaphore(%dma_wait3A_101 : memref<!tpu.dma_semaphore, #tpu.memory_space<semaphore_mem>>) src(%dma_wait3A_108 : memref<64x256xf32, #tpu.memory_space<vmem>>) dst(%dma_wait3A_104 : memref<64x256xf32, #tpu.memory_space<hbm>>)
    return
  }
}

</mosaic_0001>

<sc_bundles>
// kernel: kernel.3.cloned.1.call-start
scs
__scs_entry_jumppad:
0x0: {  	(pc) =	sbr.rel $0x88, $3  }
0x1: {  	(tag) =	ssettag $0x0;
	lr =	simm.s32 $0x1  }
0x2: {  	[smem:$0x3FA0] =	sst lr;
	_ =	strace $0xD0000000  }
0x3: {  	_ = 	snop  }
0x4: {  	_ = 	snop  }
0x5: {  	_ = 	snop  }
0x6: {  	_ = 	snop  }
0x7: {  	_ = 	snop  }
__scs_overlays_trampoline_lowered:
0x8: {  	[smem:$0x3FAF] =	sst s0  }
0x9: {  	[smem:$0x3FB0] =	sst s1  }
0xa: {  	[smem:$0x3FB1] =	sst s2  }
0xb: {  	[smem:$0x3FB2] =	sst s3  }
0xc: {  	[smem:$0x3FB3] =	sst s4  }
0xd: {  	[smem:$0x3FB4] =	sst s5  }
0xe: {  	[smem:$0x3FB5] =	sst s6  }
0xf: {  	[smem:$0x3FB6] =	sst s7  }
0x10: {  	[smem:$0x3FB7] =	sst s8  }
0x11: {  	[smem:$0x3FB8] =	sst s9;
	s0 =	simm.s32 @!p0 $0x0  }
0x12: {  	s1 =	sld [smem:$0x3F9E];
	s0 =	simm.s32 @p0 $0x1  }
0x13: {  	[smem:$0x3FB9] =	sst s0;
	s0 =	simm.s32 @!p1 $0x0  }
0x14: {  	s2 =	sld [smem:$0x3F9D];
	s0 =	simm.s32 @p1 $0x1  }
0x15: {  	[smem:$0x3FBA] =	sst s0;
	s0 =	simm.s32 @!p2 $0x0  }
0x16: {  	s3 =	sld [smem:$0x3FDB];
	s0 =	simm.s32 @p2 $0x1  }
0x17: {  	s4 =	simm.s32 $0x1BF5;
	[smem:$0x3FBC] =	sst s0  }
0x18: {  	s0 =	sld [smem:$0x3F9F];
	_ =	swait.ge [sflag:s4], $0x0  }
0x19: {  	s7 =	sld [smem:$0x3FA0]  }
0x1a: {  	s8 =	sadd.s32 $0xFFFFE003, lr  }
0x1b: {  	s9 =	sadd.s32 $0xFFFFFEF7, lr;
	s5 =	simm.s32 $0xFFFFFFFF;
	p2 =	slt.u32 s8, $0xFFFFF086  }
0x1c: {  	p1 =	slt.u32 s9, $0xF7A;
	s5 =	simm.s32 @!p2 $0x0  }
0x1d: {  	s5 =	simm.s32 @p1 $0x1;
	p0 =	seq.s32 s7, s2  }
0x1e: {  	s7 =	smul.u32 @!p0 $0xF7A, s2;
	p2 =	seq.s32 @!p0 s5, $0x0  }
0x1f: {  	s9 =	smul.u32 $0xF7A, s1;
	s8 =	simm.s32 @!p0 $0x1BF5;
	p2 =	por !p2, p0  }
0x20: {  	[sflag:s8] =	ssyncset.s32 @!p0 $0xFFFFF086;
	s6 =	sadd.s32 @!p0 s3, s7;
	s7 =	simm.s32 @!p0 $0x108  }
0x21: {  	s3 =	sadd.s32 s3, s9;
	s6 =	sadd.s32 @!p0 $0x88, s6;
	s7 =	simm.s32 @p2 $0x1082  }
0x22: {  	[simem:s7], [sflag:s8] =	dma.local @!p0 [hbm:s6], $0xF7A  }
0x23: {  	s9 =	sor.u32 $0xD0000000, s2;
	s6 =	simm.s32 $0x108;
	_ =	swait.ge @!p0 [sflag:s8], $0x0  }
0x24: {  	s3 =	sadd.s32 $0x88, s3;
	s6 =	simm.s32 @!p1 $0x1082;
	[sflag:s4] =	ssyncset.s32 $0xFFFFF086  }
0x25: {  	[simem:s6], [sflag:s4] =	dma.local [hbm:s3], $0xF7A  }
0x26: {  	[smem:$0x3FA0] =	sst s1;
	(tag) =	ssettag s2;
	_ =	strace s9  }
0x27: {  	s1 =	sld [smem:$0x3FB0]  }
0x28: {  	s2 =	sld [smem:$0x3FB1]  }
0x29: {  	s4 =	sld [smem:$0x3FB3]  }
0x2a: {  	p0 =	seq.s32 s5, $0x0;
	s5 =	sld [smem:$0x3FB4]  }
0x2b: {  	s6 =	sld [smem:$0x3FB5]  }
0x2c: {  	s7 =	sld [smem:$0x3FB6]  }
0x2d: {  	s3 =	simm.s32 $0x108;
	s8 =	sld [smem:$0x3FB7]  }
0x2e: {  	s3 =	simm.s32 @!p0 $0x1082;
	s9 =	sld [smem:$0x3FB8]  }
0x2f: {  	lr =	sadd.s32 s0, s3;
	s0 =	sld [smem:$0x3FAF]  }
0x30: {  	s3 =	sld [smem:$0x3FB2]  }
0x31: {  	[smem:$0x3FBB] =	sst s10  }
0x32: {  	s10 =	sld [smem:$0x3FB9];
	_ =	sdelay $0x3  }
0x33: {  	p0 =	seq.s32 s10, $0x1;
	s10 =	sld [smem:$0x3FBB];
	_ =	sdelay $0x3  }
0x34: {  	[smem:$0x3FBB] =	sst s10  }
0x35: {  	s10 =	sld [smem:$0x3FBA];
	_ =	sdelay $0x3  }
0x36: {  	p1 =	seq.s32 s10, $0x1;
	s10 =	sld [smem:$0x3FBB];
	_ =	sdelay $0x3  }
0x37: {  	[smem:$0x3FBB] =	sst s10  }
0x38: {  	s10 =	sld [smem:$0x3FBC]  }
0x39: {  	_ = 	snop;
	(pc) =	sbr.ind lr, $3  }
0x3a: {  	_ = 	snop  }
0x3b: {  	_ = 	snop  }
0x3c: {  	p2 =	seq.s32 s10, $0x1;
	s10 =	sld [smem:$0x3FBB]  }
0x3d: {  	_ =	shalt  }
0x3e: {  	_ =	shalt  }
0x3f: {  	_ =	shalt  }
0x40: {  	_ =	shalt  }
0x41: {  	_ =	shalt  }
0x42: {  	_ =	shalt  }
0x43: {  	_ =	shalt  }
0x44: {  	_ =	shalt  }
0x45: {  	_ =	shalt  }
0x46: {  	_ =	shalt  }
0x47: {  	_ =	shalt  }
0x48: {  	_ =	shalt  }
0x49: {  	_ =	shalt  }
0x4a: {  	_ =	shalt  }
0x4b: {  	_ =	shalt  }
0x4c: {  	_ =	shalt  }
0x4d: {  	_ =	shalt  }
0x4e: {  	_ =	shalt  }
0x4f: {  	_ =	shalt  }
0x50: {  	_ =	shalt  }
0x51: {  	_ =	shalt  }
0x52: {  	_ =	shalt  }
0x53: {  	_ =	shalt  }
0x54: {  	_ =	shalt  }
0x55: {  	_ =	shalt  }
0x56: {  	_ =	shalt  }
0x57: {  	_ =	shalt  }
0x58: {  	_ =	shalt  }
0x59: {  	_ =	shalt  }
0x5a: {  	_ =	shalt  }
0x5b: {  	_ =	shalt  }
0x5c: {  	_ =	shalt  }
0x5d: {  	_ =	shalt  }
0x5e: {  	_ =	shalt  }
0x5f: {  	_ =	shalt  }
0x60: {  	_ =	shalt  }
0x61: {  	_ =	shalt  }
0x62: {  	_ =	shalt  }
0x63: {  	_ =	shalt  }
0x64: {  	_ =	shalt  }
0x65: {  	_ =	shalt  }
0x66: {  	_ =	shalt  }
0x67: {  	_ =	shalt  }
0x68: {  	_ =	shalt  }
0x69: {  	_ =	shalt  }
0x6a: {  	_ =	shalt  }
0x6b: {  	_ =	shalt  }
0x6c: {  	_ =	shalt  }
0x6d: {  	_ =	shalt  }
0x6e: {  	_ =	shalt  }
0x6f: {  	_ =	shalt  }
0x70: {  	_ =	shalt  }
0x71: {  	_ =	shalt  }
0x72: {  	_ =	shalt  }
0x73: {  	_ =	shalt  }
0x74: {  	_ =	shalt  }
0x75: {  	_ =	shalt  }
0x76: {  	_ =	shalt  }
0x77: {  	_ =	shalt  }
0x78: {  	_ =	shalt  }
0x79: {  	_ =	shalt  }
0x7a: {  	_ =	shalt  }
0x7b: {  	_ =	shalt  }
0x7c: {  	_ =	shalt  }
0x7d: {  	_ =	shalt  }
0x7e: {  	_ =	shalt  }
0x7f: {  	_ =	shalt  }
0x80: {  	_ =	shalt  }
0x81: {  	_ =	shalt  }
0x82: {  	_ =	shalt  }
0x83: {  	_ =	shalt  }
0x84: {  	_ =	shalt  }
0x85: {  	_ =	shalt  }
0x86: {  	_ =	shalt  }
0x87: {  	_ =	shalt  }
.Lfunc_end0:
.L_simem_size_0:
called_computation_lowered:
.L_overlay_start_0:
0x88: {  	s2 =	sld [smem:$0x3FD9]  }
0x89: {  	s3 =	sld [smem:$0x3FFE];
	_ =	sdelay $0x1  }
0x8a: {  	s1 =	srdreg.scid  }
0x8b: {  	s0 =	sand.u32 $0x1, s1  }
0x8c: {  	s18 =	sshll.u32 s0, $0xA;
	s2 =	sadd.s32 s3, s2  }
0x8d: {  	s2 =	sadd.s32 s2, s18  }
0x8e: {  	[smem:$0x3FC7] =	sst s2  }
0x8f: {  	_ = 	snop  }
0x90: {  	s2 =	sld [smem:$0x3FC9]  }
0x91: {  	s19 =	sld [smem:$0x3FD0];
	(tm) =	ssettm $0x1  }
0x92: {  	s4 =	sld [smem:$0x3FFB];
	_ =	sdelay $0x3  }
0x93: {  	_ =	strace s4  }
0x94: {  	s4 =	sld [smem:$0x3FFC];
	_ =	sdelay $0x3  }
0x95: {  	_ =	strace s4  }
0x96: {  	s4 =	sld [smem:$0x3FFD];
	_ =	sdelay $0x3  }
0x97: {  	_ =	strace s4  }
0x98: {  	_ =	strace $0x8FFFFFFF  }
0x99: {  	s20 =	sld [smem:$0x3FDB];
	_ =	sdelay $0x1  }
0x9a: {  	s5 =	simm.s32 $_scs_section_size  }
0x9b: {  	s6 =	simm.s32 $_size__tile_overlayer_lowered;
	s7 =	simm.s32 $_tile_overlayer_lowered  }
0x9c: {  	s23 =	simm.s32 $0x1BFF;
	s22 =	sshll.u32 s7, $0x1;
	s4 =	sadd.s32 s5, s20  }
0x9d: {  	s8 =	simm.s32 $0x0;
	s21 =	sshll.u32 s6, $0x1;
	s6 =	sadd.s32 s22, s4  }
0x9e: {  	[timem:s8], [sflag:s23] =	dma.local [hbm:s6], s21  }
0x9f: {  	_ =	swait.ge [sflag:s23], s21  }
0xa0: {  	s5 =	ssub.s32 $0x0, s21;
	[sflag:s23] =	ssyncset.done $0x0  }
0xa1: {  	[sflag:s23] =	ssyncadd.s32 s5;
	_ =	sdelay $0x1  }
0xa2: {  	s24 =	simm.s32 $0x1B8B  }
0xa3: {  	_ =	swait.ge [sflag:s24], $0x1  }
0xa4: {  	[sflag:s24] =	ssyncset.done $0x0  }
0xa5: {  	s25 =	simm.s32 $0x1B8E;
	[sflag:s24] =	ssyncadd.s32 $0xFFFFFFFF  }
0xa6: {  	s26 =	simm.s32 $execute0_lowered;
	[smem:$0x3FD2] =	sst s25  }
0xa7: {  	s5 =	sshll.u32 s26, $0x1;
	_ =	strace $0x80000046;
	[dreg:$0x1] =	wrdreg $0xFFFFFFFF  }
0xa8: {  	s28 =	simm.s32 $_size_execute0_lowered;
	s4 =	sadd.s32 s4, s5;
	[dreg:$0x0] =	wrdreg $0x0  }
0xa9: {  	s5 =	sshll.u32 s28, $0x1;
	[dreg:$0x2] =	wrdreg s4  }
0xaa: {  	[dreg:$0x3] =	wrdreg s5  }
0xab: {  	[dreg:$0x4] =	wrdreg $0xC0  }
0xac: {  	_ =	task [dreg:s8], $0x5FFFF  }
0xad: {  	[dreg:$0x1] =	wrdreg $0xFFFFFFFF  }
0xae: {  	[dreg:$0x0] =	wrdreg $0x60  }
0xaf: {  	[dreg:$0x2] =	wrdreg s2  }
0xb0: {  	[dreg:$0x3] =	wrdreg s19  }
0xb1: {  	[dreg:$0x4] =	wrdreg $0x9  }
0xb2: {  	_ =	task.clear_ibuf [dreg:s8], $0x5FFFF;
	_ =	strace $0x90000046  }
0xb3: {  	s29 =	simm.s32 $0x9;
	_ =	strace $0x80000048  }
0xb4: {  	_ =	swait.ge [sflag:s29], $0x1  }
0xb5: {  	[sflag:s29] =	ssyncadd.s32 $0xFFFFFFFF  }
0xb6: {  	_ =	strace $0x90000048  }
0xb7: {  	_ =	sfence  }
0xb8: {  	s30 =	sld [smem:$0x0];
	_ =	sdelay $0x2  }
0xb9: {  	s31 =	sshll.u32 s1, $0xD;
	s1 =	sshrl.u32 s1, $0x2  }
0xba: {  	s3 =	sand.u32 $0x4000, s31;
	s1 =	sadd.s32 s1, s30  }
0xbb: {  	s0 =	sor.u32 s3, s0;
	s1 =	sshll.u32 s1, $0x11  }
0xbc: {  	s0 =	sor.u32 s1, s0  }
0xbd: {  	s0 =	sadd.s32 $0x8F2B, s0  }
0xbe: {  	[sflag:s0] =	ssyncadd.remote.s32 $0x1  }
0xbf: {  	_ =	sfence.sel $0xFFFF  }
0xc0: {  	[dreg:$0x0] =	wrdreg $0xFFFFFFFF;
	(pc) =	sbr.abs _section_cstart, $3  }
0xc1: {  	[dreg:$0x1] =	wrdreg $0xFFFFFFFF  }
0xc2: {  	_ =	task.clear_ibuf [dreg:s8], $0x2FFFF;
	_ =	strace $0x9FFFFFFF  }
0xc3: {  	(tm) =	ssettm $0x7FFFFFFF  }
tec
execute0_lowered:
.L_overlay_start_1:
0x0: {  	(tag) =	ssettag $0x1  }
0x1: {  	s0 =	stileid.u32  }
0x2: {  	s1 =	srdreg.scid;
	s3 =	rddreg [dreg:$0x1];
	s11 =	simm.s32 $0x800  }
0x3: {  	s12 =	simm.s32 $0x4000;
	s13 =	simm.s32 $0x1;
	s14 =	simm.s32 $0x8000  }
0x4: {  	s15 =	simm.s32 $0x2;
	s16 =	simm.s32 $0xC000;
	s17 =	simm.s32 $0x3  }
0x5: {  	s18 =	simm.s32 $0x4;
	s19 =	simm.s32 $0x0;
	s2 =	sshll.u32 s0, $0x1  }
0x6: {  	s6 =	sand.u32 $0x1, s1;
	s4 =	sshll.u32 s0, $0x15;
	s30 =	sand.u32 $0x6, s2  }
0x7: {  	s2 =	rddreg [dreg:$0x0];
	s7 =	ssub.s32 $0x2, s6;
	s1 =	sor.u32 s6, s30  }
0x8: {  	s4 =	sand.u32 $0x1800000, s4;
	s8 =	sshrl.u32 s7, $0x1;
	s5 =	sshll.u32 s1, $0xB  }
0x9: {  	s1 =	rddreg [dreg:$0x2];
	s10 =	ssub.s32 s7, s8;
	s4 =	sor.u32 s4, s5  }
0xa: {  	s5 =	simm.s32 $0x0;
	s10 =	smax.u32 s10, $0x1;
	s31 =	sshrl.u32 s4, $0x3  }
0xb: {  	[smem:$0x7FF] =	sst s5;
	s8 =	sor.u32 $0x40000, s4;
	s6 =	sadd.s32 s2, s31  }
0xc: {  	s9 =	sor.u32 $0x60000, s4;
	_ =	strace $0x80000047;
	s7 =	sadd.s32 $0x4000, s6  }
.LBB2_1:
0xd: {  	v6 =	vimm.f32 $0.0e+00  }
0xe: {  	v0 =	vimm.f32 $0.0e+00;
	v1 =	vimm.f32 $0.0e+00;
	v2 =	vimm.f32 $0.0e+00  }
0xf: {  	v3 =	vimm.f32 $0.0e+00;
	v4 =	vimm.f32 $0.0e+00;
	v5 =	vimm.f32 $0.0e+00  }
0x10: {  	[tilespmem:s5], [sflag:$0x1] =	stream.strided.gather [hbm4b:s6+s11], $0x4000, s12, s11, $0x38;
	v15 =	vimm.f32 $0.0e+00;
	v14 =	vimm.f32 $0.0e+00;
	v12 =	vimm.f32 $0.0e+00;
	[tilespmem:$0x10000] =	vst v63  }
0x11: {  	v11 =	vimm.f32 $0.0e+00;
	v10 =	vimm.f32 $0.0e+00;
	v9 =	vimm.f32 $0.0e+00;
	s20 =	simm.s32 $0x0  }
0x12: {  	v8 =	vimm.f32 $0.0e+00;
	v13 =	vimm.f32 $0.0e+00;
	v7 =	vimm.f32 $0.0e+00;
	[tilespmem:s12], [sflag:$0x2] =	stream.strided.gather [hbm4b:s7+s11], $0x4000, s12, s11, $0x38;
	[tilespmem:$0x10000] =	vst v63  }
.LBB2_2:
0x13: {  	_ =	swait.ge [sflag:s13], $0x4000  }
0x14: {  	p1 =	seq.s32 s20, $0x0;
	[sflag:s13] =	ssyncset.done $0x0  }
0x15: {  	s21 =	simm.s32 @!p1 $0x3;
	[sflag:s13] =	ssyncadd.s32 $0xFFFFC000  }
0x16: {  	s22 =	simm.s32 $0x0;
	_ =	swait.ge @!p1 [sflag:s21], $0x4000  }
0x17: {  	s23 =	sand.u32 $0x3800, s22;
	s22 =	sand.u32 $0x380, s22;
	[sflag:s21] =	ssyncset.done @!p1 $0x0  }
0x18: {  	s22 =	sor.u32 s22, s23;
	[sflag:s21] =	ssyncadd.s32 @!p1 $0xFFFFC000  }
0x19: {  	v16 =	vld [tilespmem:s22+$0x470]  }
0x1a: {  	v17 =	vld [tilespmem:s22+$0x0]  }
0x1b: {  	v18 =	vld [tilespmem:s22+$0x10]  }
0x1c: {  	v19 =	vld [tilespmem:s22+$0x20]  }
0x1d: {  	v20 =	vld [tilespmem:s22+$0x30]  }
0x1e: {  	v21 =	vld [tilespmem:s22+$0x40];
	v6 =	vadd.f32 v16, v6  }
0x1f: {  	v22 =	vld [tilespmem:s22+$0x50];
	v7 =	vadd.f32 v17, v7  }
0x20: {  	v23 =	vld [tilespmem:s22+$0x60];
	v13 =	vadd.f32 v18, v13;
	[tilespmem:s22+$0x8470] =	vst v6  }
0x21: {  	v24 =	vld [tilespmem:s22+$0x70];
	v8 =	vadd.f32 v19, v8;
	[tilespmem:s22+$0x8000] =	vst v7  }
0x22: {  	v25 =	vld [tilespmem:s22+$0x400];
	v9 =	vadd.f32 v20, v9;
	[tilespmem:s22+$0x8010] =	vst v13  }
0x23: {  	v19 =	vld [tilespmem:s22+$0x410];
	v10 =	vadd.f32 v21, v10;
	[tilespmem:s22+$0x8020] =	vst v8  }
0x24: {  	v16 =	vld [tilespmem:s22+$0x420];
	v11 =	vadd.f32 v22, v11;
	[tilespmem:s22+$0x8030] =	vst v9  }
0x25: {  	s24 =	simm.s32 $0x100;
	v17 =	vld [tilespmem:s22+$0x430];
	v12 =	vadd.f32 v23, v12;
	[tilespmem:s22+$0x8040] =	vst v10  }
0x26: {  	s25 =	sand.u32 $0x3800, s24;
	s23 =	simm.s32 $0x80;
	v18 =	vld [tilespmem:s22+$0x440];
	v14 =	vadd.f32 v24, v14;
	[tilespmem:s22+$0x8050] =	vst v11  }
0x27: {  	s24 =	simm.s32 $0x200;
	s26 =	sand.u32 $0x380, s23;
	s21 =	sshll.u32 s20, $0x12;
	v15 =	vadd.f32 v25, v15;
	v20 =	vld [tilespmem:s22+$0x450];
	[tilespmem:s22+$0x8060] =	vst v12  }
.LBB2_3:
0x28: {  	p0 =	sne.s32 s24, $0x3F00;
	s25 =	sor.u32 s26, s25;
	[tilespmem:s22+$0x8070] =	vst v14;
	v5 =	vadd.f32 v19, v5;
	v19 =	vld [tilespmem:s22+$0x460]  }
0x29: {  	v21 =	vld [tilespmem:s25+$0x470];
	[tilespmem:s22+$0x8400] =	vst v15;
	v4 =	vadd.f32 v16, v4  }
0x2a: {  	v16 =	vld [tilespmem:s25+$0x0];
	[tilespmem:s22+$0x8410] =	vst v5;
	v3 =	vadd.f32 v17, v3  }
0x2b: {  	v17 =	vld [tilespmem:s25+$0x10];
	[tilespmem:s22+$0x8420] =	vst v4;
	v2 =	vadd.f32 v18, v2  }
0x2c: {  	v18 =	vld [tilespmem:s25+$0x20];
	[tilespmem:s22+$0x8430] =	vst v3;
	v1 =	vadd.f32 v20, v1  }
0x2d: {  	v20 =	vld [tilespmem:s25+$0x30];
	[tilespmem:s22+$0x8440] =	vst v2;
	v0 =	vadd.f32 v19, v0  }
0x2e: {  	v19 =	vld [tilespmem:s25+$0x40];
	v6 =	vadd.f32 v21, v6;
	[tilespmem:s22+$0x8450] =	vst v1  }
0x2f: {  	v7 =	vadd.f32 v16, v7;
	v16 =	vld [tilespmem:s25+$0x50];
	[tilespmem:s22+$0x8460] =	vst v0;
	s22 =	smov.u32 s25  }
0x30: {  	v13 =	vadd.f32 v17, v13;
	v17 =	vld [tilespmem:s22+$0x60];
	[tilespmem:s22+$0x8470] =	vst v6  }
0x31: {  	[tilespmem:s22+$0x8000] =	vst v7;
	v8 =	vadd.f32 v18, v8;
	v18 =	vld [tilespmem:s22+$0x70]  }
0x32: {  	[tilespmem:s22+$0x8010] =	vst v13;
	v9 =	vadd.f32 v20, v9;
	v20 =	vld [tilespmem:s22+$0x400]  }
.Ltmp0:
0x33: {  	[tilespmem:s22+$0x8020] =	vst v8;
	v10 =	vadd.f32 v19, v10;
	v19 =	vld [tilespmem:s22+$0x410];
	(pc) =	sbr.rel @p0 .LBB2_3-.Ltmp0, $4  }
0x34: {  	[tilespmem:s22+$0x8030] =	vst v9;
	v11 =	vadd.f32 v16, v11;
	v16 =	vld [tilespmem:s22+$0x420]  }
0x35: {  	[tilespmem:s22+$0x8040] =	vst v10;
	v12 =	vadd.f32 v17, v12;
	v17 =	vld [tilespmem:s22+$0x430]  }
0x36: {  	s23 =	sadd.s32 $0x80, s23;
	[tilespmem:s22+$0x8050] =	vst v11;
	v14 =	vadd.f32 v18, v14;
	v18 =	vld [tilespmem:s22+$0x440]  }
0x37: {  	s26 =	sand.u32 $0x380, s23;
	s25 =	sand.u32 $0x3800, s24;
	s24 =	sadd.s32 $0x100, s24;
	[tilespmem:s22+$0x8060] =	vst v12;
	v15 =	vadd.f32 v20, v15;
	v20 =	vld [tilespmem:s22+$0x450]  }
0x38: {  	[tilespmem:s22+$0x8070] =	vst v14;
	s23 =	sor.u32 s26, s25;
	v21 =	vld [tilespmem:s22+$0x460];
	v5 =	vadd.f32 v19, v5  }
0x39: {  	v22 =	vld [tilespmem:s23+$0x470];
	[tilespmem:s22+$0x8400] =	vst v15;
	v16 =	vadd.f32 v16, v4  }
0x3a: {  	v19 =	vld [tilespmem:s23+$0x0];
	[tilespmem:s22+$0x8410] =	vst v5;
	v3 =	vadd.f32 v17, v3  }
0x3b: {  	v4 =	vld [tilespmem:s23+$0x10];
	[tilespmem:s22+$0x8420] =	vst v16;
	v2 =	vadd.f32 v18, v2  }
0x3c: {  	v17 =	vld [tilespmem:s23+$0x20];
	[tilespmem:s22+$0x8430] =	vst v3;
	v1 =	vadd.f32 v20, v1  }
0x3d: {  	v18 =	vld [tilespmem:s23+$0x30];
	[tilespmem:s22+$0x8440] =	vst v2;
	v21 =	vadd.f32 v21, v0  }
0x3e: {  	v20 =	vld [tilespmem:s23+$0x40];
	[tilespmem:s22+$0x8450] =	vst v1  }
0x3f: {  	v6 =	vadd.f32 v22, v6;
	v0 =	vld [tilespmem:s23+$0x50];
	[tilespmem:s22+$0x8460] =	vst v21  }
0x40: {  	v7 =	vadd.f32 v19, v7;
	v13 =	vadd.f32 v4, v13;
	v4 =	vld [tilespmem:s23+$0x60]  }
0x41: {  	[tilespmem:s23+$0x8470] =	vst v6;
	v19 =	vld [tilespmem:s23+$0x410]  }
0x42: {  	[tilespmem:s23+$0x8000] =	vst v7;
	v8 =	vadd.f32 v17, v8;
	v17 =	vld [tilespmem:s23+$0x70]  }
0x43: {  	[tilespmem:s23+$0x8010] =	vst v13;
	v9 =	vadd.f32 v18, v9  }
0x44: {  	v18 =	vld [tilespmem:s23+$0x400];
	[tilespmem:s23+$0x8020] =	vst v8;
	v10 =	vadd.f32 v20, v10  }
0x45: {  	v20 =	vld [tilespmem:s23+$0x430];
	[tilespmem:s23+$0x8030] =	vst v9;
	v11 =	vadd.f32 v0, v11  }
0x46: {  	v0 =	vld [tilespmem:s23+$0x420];
	[tilespmem:s23+$0x8040] =	vst v10;
	v12 =	vadd.f32 v4, v12  }
0x47: {  	v4 =	vadd.f32 v19, v5;
	[tilespmem:s23+$0x8050] =	vst v11;
	v14 =	vadd.f32 v17, v14;
	v17 =	vld [tilespmem:s23+$0x440]  }
0x48: {  	v19 =	vld [tilespmem:s23+$0x460];
	[tilespmem:s23+$0x8060] =	vst v12  }
0x49: {  	v15 =	vadd.f32 v18, v15;
	v18 =	vld [tilespmem:s23+$0x450];
	[tilespmem:s23+$0x8410] =	vst v4  }
0x4a: {  	[tilespmem:s23+$0x8070] =	vst v14;
	v3 =	vadd.f32 v20, v3  }
0x4b: {  	[tilespmem:s23+$0x8400] =	vst v15;
	v5 =	vadd.f32 v0, v16  }
0x4c: {  	[tilespmem:s23+$0x8430] =	vst v3;
	v0 =	vadd.f32 v17, v2  }
0x4d: {  	p0 =	seq.s32 s20, $0x1F;
	[tilespmem:s23+$0x8420] =	vst v5;
	v2 =	vadd.f32 v19, v21  }
0x4e: {  	s22 =	sadd.s32 @!p0 s21, s8;
	v1 =	vadd.f32 v18, v1;
	[tilespmem:s23+$0x8440] =	vst v0  }
0x4f: {  	s24 =	simm.s32 @!p0 $0x4000;
	s22 =	sshrl.u32 @!p0 s22, $0x3;
	[tilespmem:s23+$0x8460] =	vst v2  }
0x50: {  	s25 =	simm.s32 @!p0 $0x0;
	s22 =	sadd.s32 @!p0 s2, s22;
	[tilespmem:s23+$0x8450] =	vst v1;
	s23 =	simm.s32 @!p0 $0x800  }
0x51: {  	[tilespmem:s25], [sflag:$0x1] =	stream.strided.gather @!p0 [hbm4b:s22+s23], $0x4000, s24, s23, $0x38;
	[tilespmem:$0x10000] =	vst v63  }
0x52: {  	s25 =	sor.u32 s21, s4  }
0x53: {  	s22 =	sshrl.u32 s25, $0x3  }
0x54: {  	s26 =	sadd.s32 s3, s22  }
0x55: {  	[hbm4b:s26+s11] =	stream.strided.scatter [tilespmem:s14], [sflag:$0x3], $0x4000, s12, s11, $0x38;
	[tilespmem:$0x10000] =	vst v63  }
0x56: {  	_ =	swait.ge [sflag:s15], $0x4000  }
0x57: {  	[sflag:s15] =	ssyncset.done $0x0  }
0x58: {  	s23 =	simm.s32 @!p1 $0x4;
	[sflag:s15] =	ssyncadd.s32 $0xFFFFC000  }
0x59: {  	s29 =	simm.s32 $0x0;
	_ =	swait.ge @!p1 [sflag:s23], $0x4000  }
0x5a: {  	s30 =	sand.u32 $0x3800, s29;
	s24 =	sand.u32 $0x380, s29;
	[sflag:s23] =	ssyncset.done @!p1 $0x0  }
0x5b: {  	[sflag:s23] =	ssyncadd.s32 @!p1 $0xFFFFC000;
	s23 =	sor.u32 s24, s30  }
0x5c: {  	v16 =	vld [tilespmem:s23+$0x4470]  }
0x5d: {  	v17 =	vld [tilespmem:s23+$0x4000]  }
0x5e: {  	v18 =	vld [tilespmem:s23+$0x4010]  }
0x5f: {  	v19 =	vld [tilespmem:s23+$0x4020]  }
0x60: {  	v20 =	vld [tilespmem:s23+$0x4030]  }
0x61: {  	v21 =	vld [tilespmem:s23+$0x4040];
	v6 =	vadd.f32 v16, v6  }
0x62: {  	v22 =	vld [tilespmem:s23+$0x4050];
	v7 =	vadd.f32 v17, v7  }
0x63: {  	v23 =	vld [tilespmem:s23+$0x4060];
	v13 =	vadd.f32 v18, v13;
	[tilespmem:s23+$0xC470] =	vst v6  }
0x64: {  	v24 =	vld [tilespmem:s23+$0x4070];
	v8 =	vadd.f32 v19, v8;
	[tilespmem:s23+$0xC000] =	vst v7  }
0x65: {  	v25 =	vld [tilespmem:s23+$0x4400];
	v9 =	vadd.f32 v20, v9;
	[tilespmem:s23+$0xC010] =	vst v13  }
0x66: {  	v19 =	vld [tilespmem:s23+$0x4410];
	v10 =	vadd.f32 v21, v10;
	[tilespmem:s23+$0xC020] =	vst v8  }
0x67: {  	v16 =	vld [tilespmem:s23+$0x4420];
	v11 =	vadd.f32 v22, v11;
	[tilespmem:s23+$0xC030] =	vst v9  }
0x68: {  	v17 =	vld [tilespmem:s23+$0x4430];
	v12 =	vadd.f32 v23, v12;
	[tilespmem:s23+$0xC040] =	vst v10  }
0x69: {  	s31 =	simm.s32 $0x100;
	s24 =	simm.s32 $0x80;
	v18 =	vld [tilespmem:s23+$0x4440];
	v14 =	vadd.f32 v24, v14;
	[tilespmem:s23+$0xC050] =	vst v11  }
0x6a: {  	s25 =	simm.s32 $0x200;
	s26 =	sand.u32 $0x3800, s31;
	s28 =	sand.u32 $0x380, s24;
	v15 =	vadd.f32 v25, v15;
	v20 =	vld [tilespmem:s23+$0x4450];
	[tilespmem:s23+$0xC060] =	vst v12  }
.LBB2_5:
0x6b: {  	p1 =	sne.s32 s25, $0x3F00;
	s26 =	sor.u32 s28, s26;
	[tilespmem:s23+$0xC070] =	vst v14;
	v4 =	vadd.f32 v19, v4;
	v19 =	vld [tilespmem:s23+$0x4460]  }
0x6c: {  	v21 =	vld [tilespmem:s26+$0x4470];
	[tilespmem:s23+$0xC400] =	vst v15;
	v5 =	vadd.f32 v16, v5  }
0x6d: {  	v16 =	vld [tilespmem:s26+$0x4000];
	[tilespmem:s23+$0xC410] =	vst v4;
	v3 =	vadd.f32 v17, v3  }
0x6e: {  	v17 =	vld [tilespmem:s26+$0x4010];
	[tilespmem:s23+$0xC420] =	vst v5;
	v0 =	vadd.f32 v18, v0  }
0x6f: {  	v18 =	vld [tilespmem:s26+$0x4020];
	[tilespmem:s23+$0xC430] =	vst v3;
	v1 =	vadd.f32 v20, v1  }
0x70: {  	v20 =	vld [tilespmem:s26+$0x4030];
	[tilespmem:s23+$0xC440] =	vst v0;
	v2 =	vadd.f32 v19, v2  }
0x71: {  	v19 =	vld [tilespmem:s26+$0x4040];
	v6 =	vadd.f32 v21, v6;
	[tilespmem:s23+$0xC450] =	vst v1  }
0x72: {  	v7 =	vadd.f32 v16, v7;
	v16 =	vld [tilespmem:s26+$0x4050];
	[tilespmem:s23+$0xC460] =	vst v2;
	s23 =	smov.u32 s26  }
0x73: {  	v13 =	vadd.f32 v17, v13;
	v17 =	vld [tilespmem:s23+$0x4060];
	[tilespmem:s23+$0xC470] =	vst v6  }
0x74: {  	[tilespmem:s23+$0xC000] =	vst v7;
	v8 =	vadd.f32 v18, v8;
	v18 =	vld [tilespmem:s23+$0x4070]  }
0x75: {  	[tilespmem:s23+$0xC010] =	vst v13;
	v9 =	vadd.f32 v20, v9;
	v20 =	vld [tilespmem:s23+$0x4400]  }
.Ltmp1:
0x76: {  	[tilespmem:s23+$0xC020] =	vst v8;
	v10 =	vadd.f32 v19, v10;
	v19 =	vld [tilespmem:s23+$0x4410];
	(pc) =	sbr.rel @p1 .LBB2_5-.Ltmp1, $4  }
0x77: {  	[tilespmem:s23+$0xC030] =	vst v9;
	v11 =	vadd.f32 v16, v11;
	v16 =	vld [tilespmem:s23+$0x4420]  }
0x78: {  	[tilespmem:s23+$0xC040] =	vst v10;
	v12 =	vadd.f32 v17, v12;
	v17 =	vld [tilespmem:s23+$0x4430]  }
0x79: {  	s24 =	sadd.s32 $0x80, s24;
	[tilespmem:s23+$0xC050] =	vst v11;
	v14 =	vadd.f32 v18, v14;
	v18 =	vld [tilespmem:s23+$0x4440]  }
0x7a: {  	s28 =	sand.u32 $0x380, s24;
	s26 =	sand.u32 $0x3800, s25;
	s25 =	sadd.s32 $0x100, s25;
	[tilespmem:s23+$0xC060] =	vst v12;
	v15 =	vadd.f32 v20, v15;
	v20 =	vld [tilespmem:s23+$0x4450]  }
0x7b: {  	[tilespmem:s23+$0xC070] =	vst v14;
	s24 =	sor.u32 s28, s26;
	v21 =	vld [tilespmem:s23+$0x4460];
	v4 =	vadd.f32 v19, v4  }
0x7c: {  	v22 =	vld [tilespmem:s24+$0x4470];
	[tilespmem:s23+$0xC400] =	vst v15;
	v16 =	vadd.f32 v16, v5  }
0x7d: {  	v56 =	vld [tilespmem:s24+$0x4000];
	[tilespmem:s23+$0xC410] =	vst v4;
	v3 =	vadd.f32 v17, v3  }
0x7e: {  	v5 =	vld [tilespmem:s24+$0x4010];
	[tilespmem:s23+$0xC420] =	vst v16;
	v0 =	vadd.f32 v18, v0  }
0x7f: {  	v17 =	vld [tilespmem:s24+$0x4020];
	[tilespmem:s23+$0xC430] =	vst v3;
	v1 =	vadd.f32 v20, v1  }
0x80: {  	v57 =	vld [tilespmem:s24+$0x4030];
	[tilespmem:s23+$0xC440] =	vst v0;
	v21 =	vadd.f32 v21, v2  }
0x81: {  	v58 =	vld [tilespmem:s24+$0x4040];
	[tilespmem:s23+$0xC450] =	vst v1  }
0x82: {  	v6 =	vadd.f32 v22, v6;
	v2 =	vld [tilespmem:s24+$0x4050];
	[tilespmem:s23+$0xC460] =	vst v21  }
0x83: {  	v7 =	vadd.f32 v56, v7;
	v13 =	vadd.f32 v5, v13;
	v5 =	vld [tilespmem:s24+$0x4060]  }
0x84: {  	[tilespmem:s24+$0xC470] =	vst v6;
	v59 =	vld [tilespmem:s24+$0x4400]  }
0x85: {  	v60 =	vld [tilespmem:s24+$0x4410];
	[tilespmem:s24+$0xC000] =	vst v7;
	v8 =	vadd.f32 v17, v8  }
0x86: {  	v17 =	vld [tilespmem:s24+$0x4070];
	[tilespmem:s24+$0xC010] =	vst v13;
	v9 =	vadd.f32 v57, v9  }
0x87: {  	v61 =	vld [tilespmem:s24+$0x4430];
	[tilespmem:s24+$0xC020] =	vst v8;
	v10 =	vadd.f32 v58, v10  }
0x88: {  	v62 =	vld [tilespmem:s24+$0x4450];
	[tilespmem:s24+$0xC030] =	vst v9;
	v11 =	vadd.f32 v2, v11  }
0x89: {  	[tilespmem:s24+$0xC040] =	vst v10;
	v12 =	vadd.f32 v5, v12  }
0x8a: {  	v2 =	vld [tilespmem:s24+$0x4420];
	v15 =	vadd.f32 v59, v15;
	[tilespmem:s24+$0xC050] =	vst v11  }
0x8b: {  	v5 =	vadd.f32 v60, v4;
	v14 =	vadd.f32 v17, v14;
	v17 =	vld [tilespmem:s24+$0x4440];
	[tilespmem:s24+$0xC060] =	vst v12  }
0x8c: {  	v63 =	vld [tilespmem:s24+$0x4460];
	v3 =	vadd.f32 v61, v3;
	[tilespmem:s24+$0xC400] =	vst v15  }
0x8d: {  	v1 =	vadd.f32 v62, v1;
	[tilespmem:s24+$0xC410] =	vst v5  }
0x8e: {  	[tilespmem:s24+$0xC430] =	vst v3  }
0x8f: {  	[tilespmem:s24+$0xC450] =	vst v1;
	v4 =	vadd.f32 v2, v16  }
0x90: {  	[tilespmem:s24+$0xC070] =	vst v14;
	v2 =	vadd.f32 v17, v0  }
0x91: {  	s21 =	sadd.s32 @!p0 s21, s9;
	[tilespmem:s24+$0xC420] =	vst v4;
	v0 =	vadd.f32 v63, v21  }
0x92: {  	s20 =	sadd.s32 $0x1, s20;
	s21 =	sshrl.u32 @!p0 s21, $0x3;
	[tilespmem:s24+$0xC440] =	vst v2  }
0x93: {  	s21 =	sadd.s32 @!p0 s2, s21;
	s23 =	simm.s32 @!p0 $0x800;
	[tilespmem:s24+$0xC460] =	vst v0;
	s24 =	simm.s32 @!p0 $0x4000  }
0x94: {  	[tilespmem:s24], [sflag:$0x2] =	stream.strided.gather @!p0 [hbm4b:s21+s23], $0x4000, s24, s23, $0x38;
	[tilespmem:$0x10000] =	vst v63  }
0x95: {  	p0 =	sne.s32 s20, $0x20  }
.Ltmp2:
0x96: {  	_ = 	snop;
	(pc) =	sbr.rel @p0 .LBB2_2-.Ltmp2, $4  }
0x97: {  	_ = 	snop  }
0x98: {  	s31 =	sor.u32 $0x4000, s22  }
0x99: {  	s21 =	sadd.s32 s3, s31  }
0x9a: {  	[hbm4b:s21+s11] =	stream.strided.scatter [tilespmem:s16], [sflag:$0x4], $0x4000, s12, s11, $0x38;
	[tilespmem:$0x10000] =	vst v63  }
0x9b: {  	s19 =	sadd.s32 $0x1, s19  }
0x9c: {  	_ =	swait.ge [sflag:s17], $0x4000;
	p0 =	sne.s32 s19, s10  }
.Ltmp3:
0x9d: {  	[sflag:s17] =	ssyncset.done $0x0;
	(pc) =	sbr.rel @p0 .LBB2_1-.Ltmp3, $4  }
0x9e: {  	[sflag:s17] =	ssyncadd.s32 $0xFFFFC000  }
0x9f: {  	_ =	swait.ge [sflag:s18], $0x4000  }
0xa0: {  	[sflag:s18] =	ssyncset.done $0x0  }
0xa1: {  	[sflag:s18] =	ssyncadd.s32 $0xFFFFC000  }
0xa2: {  	_ =	sfence.sel $0x180000  }
0xa3: {  	[bflag:$0x0] =	sbarrier.arrive $0xFFFF  }
0xa4: {  	p0 =	sne.s32 s0, $0x0;
	_ =	strace $0x90000047  }
0xa5: {  	s0 =	sadd.s32 @!p0 $0x100000, s1;
	[bflag:$0x2] =	sbarrier.arrive $0xFFFF  }
0xa6: {  	[sflag:s0] =	ssyncadd.tile.s32 @!p0 $0x1;
	_ =	shalt  }
.Lfunc_end2:
_tile_overlayer_lowered:
.L_overlay_start_2:
0xa7: {  	(tag) =	ssettag $0x2  }
0xa8: {  	s0 =	rddreg [dreg:$0x0];
	s2 =	stileid.u32  }
0xa9: {  	s1 =	rddreg [dreg:$0x1];
	p0 =	sne.s32 s2, $0x0  }
0xaa: {  	s3 =	rddreg [dreg:$0x2];
	[bflag:$0x3] =	sbarrier.arrive $0xFFFF;
	s2 =	simm.s32 @!p0 $0x1C05  }
0xab: {  	[timem:s3], [sflag:s2] =	dma.local @!p0 [hbm:s0], s1  }
0xac: {  	s0 =	simm.s32 @!p0 $0x5  }
0xad: {  	_ =	swait.ge @!p0 [sflag:s0], s1  }
0xae: {  	s1 =	ssub.s32 @!p0 $0x0, s1;
	[sflag:s0] =	ssyncset.done @!p0 $0x0  }
0xaf: {  	[sflag:s0] =	ssyncadd.s32 @!p0 s1  }
0xb0: {  	[bflag:$0x3] =	sbarrier.arrive $0xFFFF  }
0xb1: {  	_ =	shalt  }

</sc_bundles>
